<compile_context>
chip_gen: v7x
topology: tpu7x:2x2x1
jax: 0.10.2.dev20260603
libtpu: 0.0.44.dev20260713+nightly
codegen_flags: <defaults>
</compile_context>

<pallas_src>
import functools
import math

import jax
import jax.numpy as jnp
from jax import lax
from jax.experimental import pallas as pl
from jax.experimental.pallas import tpu as pltpu
from jax.experimental.pallas import tpu_sc as plsc

_EMBED_DIM = 64
_SCALE = math.sqrt(_EMBED_DIM)
_NC = 2
_NS = 16
_LANES = 16
_NW = _NC * _NS
_W = 128
_NBUF = 4


@functools.lru_cache(maxsize=None)
def _make_kernel(B: int):
    assert B % (_NW * _W * _NBUF) == 0
    b_per_w = B // _NW
    n_steps = b_per_w // _W
    mesh = plsc.VectorSubcoreMesh(core_axis_name="c", subcore_axis_name="s")

    rows_t = pltpu.VMEM((_W, _EMBED_DIM), jnp.float32)

    @functools.partial(
        pl.kernel,
        mesh=mesh,
        compiler_params=pltpu.CompilerParams(use_tc_tiling_on_sc=False),
        out_type=jax.ShapeDtypeStruct((B, _EMBED_DIM), jnp.float32),
        scratch_types=(
            [pltpu.VMEM((b_per_w,), jnp.int32)]
            + [rows_t] * _NBUF
            + [rows_t] * _NBUF
            + [pltpu.SemaphoreType.DMA] * (2 * _NBUF)
        ),
    )
    def gather_scale(idx_hbm, table_hbm, out_hbm, idx_all, *bufs):
        gbuf = bufs[:_NBUF]
        wbuf = bufs[_NBUF:2 * _NBUF]
        gsem = bufs[2 * _NBUF:3 * _NBUF]
        wsem = bufs[3 * _NBUF:]

        wid = lax.axis_index("s") * _NC + lax.axis_index("c")
        base = wid * b_per_w

        pltpu.sync_copy(idx_hbm.at[pl.ds(base, b_per_w)], idx_all)

        def gather(s, b):
            return pltpu.make_async_copy(
                table_hbm.at[idx_all.at[pl.ds(s * _W, _W)]], gbuf[b], gsem[b]
            )

        def write(s, k):
            return pltpu.make_async_copy(
                wbuf[k], out_hbm.at[pl.ds(base + s * _W, _W)], wsem[k]
            )

        for b in range(_NBUF):
            gather(b, b).start()

        @pl.loop(0, n_steps, step=_NBUF)
        def _(j):
            for b in range(_NBUF):
                s = j + b
                gather(s, b).wait()

                @pl.when(s >= _NBUF)
                def _():
                    write(s - _NBUF, b).wait()

                @pl.loop(0, _W)
                def _(r):
                    for c in range(0, _EMBED_DIM, _LANES):
                        sl = (r, pl.ds(c, _LANES))
                        wbuf[b].at[sl][...] = gbuf[b].at[sl][...] * _SCALE

                write(s, b).start()

                @pl.when(s + _NBUF < n_steps)
                def _():
                    gather(s + _NBUF, b).start()

        for b in range(_NBUF):
            write(n_steps - _NBUF + b, b).wait()

    return gather_scale


def kernel(input_vector, table):
    n, s = input_vector.shape
    B = n * s
    idx = input_vector.reshape(B).astype(jnp.int32)
    out = _make_kernel(B)(idx, table)
    return out.reshape(n, s, _EMBED_DIM)

# --- scband reference (transcript-rebuilt; emitter-appended) ---
"""Pipeline reference for scband-input-embeddings-80650895884713 (READ-ONLY COPY).

The authoritative reference and input builder live on the scoring server;
editing this copy changes nothing except your own understanding.
"""

import jax, jax.numpy as jnp
import numpy as np
import math

ACTION_COUNT = 1000000
EMBED_DIM = 64

def setup_inputs(seed: int = 0) -> dict:
    key = jax.random.key(seed)
    k1, k2 = jax.random.split(key)
    input_vector = jax.random.randint(k1, (4096, 200), 0, ACTION_COUNT, dtype=jnp.int64 if jax.config.jax_enable_x64 else jnp.int32)
    table = jax.random.normal(k2, (ACTION_COUNT, EMBED_DIM), dtype=jnp.float32)
    return {"input_vector": input_vector, "table": table}

def reference(input_vector, table):
    # nn.Embedding lookup followed by sqrt(d) scaling
    emb = jnp.take(table, input_vector, axis=0)
    return emb * math.sqrt(EMBED_DIM)

if __name__ == "__main__":
    import jax
    _d = setup_inputs()
    print(jax.jit(kernel)(*tuple(_d.values())))

</pallas_src>

<mosaic_0001>
#map = affine_map<(d0, d1) -> (0)>
#map1 = affine_map<(d0, d1) -> (0, 0)>
module attributes {stable_mosaic.version = 14 : i64} {
  func.func @gather_scale(%arg0: i32, %arg1: i32, %arg2: memref<819200xi32, #tpu.memory_space<hbm>>, %arg3: memref<1000000x64xf32, #tpu.memory_space<hbm>>, %arg4: memref<819200x64xf32, #tpu.memory_space<hbm>>, %arg5: memref<25600xi32, #tpu.memory_space<vmem>>, %arg6: memref<128x64xf32, #tpu.memory_space<vmem>>, %arg7: memref<128x64xf32, #tpu.memory_space<vmem>>, %arg8: memref<128x64xf32, #tpu.memory_space<vmem>>, %arg9: memref<128x64xf32, #tpu.memory_space<vmem>>, %arg10: memref<128x64xf32, #tpu.memory_space<vmem>>, %arg11: memref<128x64xf32, #tpu.memory_space<vmem>>, %arg12: memref<128x64xf32, #tpu.memory_space<vmem>>, %arg13: memref<128x64xf32, #tpu.memory_space<vmem>>, %arg14: memref<!tpu.dma_semaphore, #tpu.memory_space<semaphore_mem>>, %arg15: memref<!tpu.dma_semaphore, #tpu.memory_space<semaphore_mem>>, %arg16: memref<!tpu.dma_semaphore, #tpu.memory_space<semaphore_mem>>, %arg17: memref<!tpu.dma_semaphore, #tpu.memory_space<semaphore_mem>>, %arg18: memref<!tpu.dma_semaphore, #tpu.memory_space<semaphore_mem>>, %arg19: memref<!tpu.dma_semaphore, #tpu.memory_space<semaphore_mem>>, %arg20: memref<!tpu.dma_semaphore, #tpu.memory_space<semaphore_mem>>, %arg21: memref<!tpu.dma_semaphore, #tpu.memory_space<semaphore_mem>>) attributes {dimension_semantics = [#tpu.dimension_semantics<core_parallel>, #tpu.dimension_semantics<subcore_parallel>], iteration_bounds = array<i64: 2, 16>, scalar_prefetch = 0 : i64, scratch_operands = 17 : i64, tpu.core_type = #tpu.core_type<sc_vector_subcore>, window_params = [{transform_indices = #map}, {transform_indices = #map1}, {transform_indices = #map1}]} {
    %mul3A = arith.constant 2 : i32
    %mul3A_0 = arith.muli %arg1, %mul3A : i32
    %add3A = arith.addi %mul3A_0, %arg0 : i32
    %mul3A_1 = arith.constant 25600 : i32
    %mul3A_2 = arith.muli %add3A, %mul3A_1 : i32
    "tpu.region"() ({
      %run_scoped3A = tpu.sem_alloc : memref<!tpu.dma_semaphore, #tpu.memory_space<semaphore_mem>>
      %dma_start3A_49 = tpu.memref_slice %arg2[%mul3A_2] : memref<819200xi32, #tpu.memory_space<hbm>> -> memref<25600xi32, #tpu.memory_space<hbm>>
      %dma_start3A_50 = tpu.memref_slice %arg2[%mul3A_2] : memref<819200xi32, #tpu.memory_space<hbm>> -> memref<25600xi32, #tpu.memory_space<hbm>>
      tpu.enqueue_dma source(%dma_start3A_50 : memref<25600xi32, #tpu.memory_space<hbm>>) target(%arg5 : memref<25600xi32, #tpu.memory_space<vmem>>) target_semaphore(%run_scoped3A : memref<!tpu.dma_semaphore, #tpu.memory_space<semaphore_mem>>)
      %dma_wait3A_51 = tpu.memref_slice %arg2[%mul3A_2] : memref<819200xi32, #tpu.memory_space<hbm>> -> memref<25600xi32, #tpu.memory_space<hbm>>
      %dma_wait3A_52 = tpu.memref_slice %arg2[%mul3A_2] : memref<819200xi32, #tpu.memory_space<hbm>> -> memref<25600xi32, #tpu.memory_space<hbm>>
      tpu.wait_dma2 semaphore(%run_scoped3A : memref<!tpu.dma_semaphore, #tpu.memory_space<semaphore_mem>>) src(%dma_wait3A_52 : memref<25600xi32, #tpu.memory_space<hbm>>) dst(%arg5 : memref<25600xi32, #tpu.memory_space<vmem>>)
      tpu.yield
    }) : () -> ()
    %dma_start3A = arith.constant 0 : i32
    %dma_start3A_3 = tpu.memref_slice %arg5[%dma_start3A] : memref<25600xi32, #tpu.memory_space<vmem>> -> memref<128xi32, #tpu.memory_space<vmem>>
    %dma_start3A_4 = arith.constant 0 : i32
    %dma_start3A_5 = arith.constant 0 : i32
    %dma_start3A_6 = tpu.memref_slice %arg3[%dma_start3A_4, %dma_start3A_5] : memref<1000000x64xf32, #tpu.memory_space<hbm>> -> memref<1000000x64xf32, #tpu.memory_space<hbm>>
    tpu.enqueue_indirect_dma source(%dma_start3A_6 : memref<1000000x64xf32, #tpu.memory_space<hbm>>) target(%arg6 : memref<128x64xf32, #tpu.memory_space<vmem>>) offsets(%dma_start3A_3 : memref<128xi32, #tpu.memory_space<vmem>>) semaphore(%arg14 : memref<!tpu.dma_semaphore, #tpu.memory_space<semaphore_mem>>)
    %dma_start3A_7 = arith.constant 128 : i32
    %dma_start3A_8 = tpu.memref_slice %arg5[%dma_start3A_7] : memref<25600xi32, #tpu.memory_space<vmem>> -> memref<128xi32, #tpu.memory_space<vmem>>
    %dma_start3A_9 = arith.constant 0 : i32
    %dma_start3A_10 = arith.constant 0 : i32
    %dma_start3A_11 = tpu.memref_slice %arg3[%dma_start3A_9, %dma_start3A_10] : memref<1000000x64xf32, #tpu.memory_space<hbm>> -> memref<1000000x64xf32, #tpu.memory_space<hbm>>
    tpu.enqueue_indirect_dma source(%dma_start3A_11 : memref<1000000x64xf32, #tpu.memory_space<hbm>>) target(%arg7 : memref<128x64xf32, #tpu.memory_space<vmem>>) offsets(%dma_start3A_8 : memref<128xi32, #tpu.memory_space<vmem>>) semaphore(%arg15 : memref<!tpu.dma_semaphore, #tpu.memory_space<semaphore_mem>>)
    %dma_start3A_12 = arith.constant 256 : i32
    %dma_start3A_13 = tpu.memref_slice %arg5[%dma_start3A_12] : memref<25600xi32, #tpu.memory_space<vmem>> -> memref<128xi32, #tpu.memory_space<vmem>>
    %dma_start3A_14 = arith.constant 0 : i32
    %dma_start3A_15 = arith.constant 0 : i32
    %dma_start3A_16 = tpu.memref_slice %arg3[%dma_start3A_14, %dma_start3A_15] : memref<1000000x64xf32, #tpu.memory_space<hbm>> -> memref<1000000x64xf32, #tpu.memory_space<hbm>>
    tpu.enqueue_indirect_dma source(%dma_start3A_16 : memref<1000000x64xf32, #tpu.memory_space<hbm>>) target(%arg8 : memref<128x64xf32, #tpu.memory_space<vmem>>) offsets(%dma_start3A_13 : memref<128xi32, #tpu.memory_space<vmem>>) semaphore(%arg16 : memref<!tpu.dma_semaphore, #tpu.memory_space<semaphore_mem>>)
    %dma_start3A_17 = arith.constant 384 : i32
    %dma_start3A_18 = tpu.memref_slice %arg5[%dma_start3A_17] : memref<25600xi32, #tpu.memory_space<vmem>> -> memref<128xi32, #tpu.memory_space<vmem>>
    %dma_start3A_19 = arith.constant 0 : i32
    %dma_start3A_20 = arith.constant 0 : i32
    %dma_start3A_21 = tpu.memref_slice %arg3[%dma_start3A_19, %dma_start3A_20] : memref<1000000x64xf32, #tpu.memory_space<hbm>> -> memref<1000000x64xf32, #tpu.memory_space<hbm>>
    tpu.enqueue_indirect_dma source(%dma_start3A_21 : memref<1000000x64xf32, #tpu.memory_space<hbm>>) target(%arg9 : memref<128x64xf32, #tpu.memory_space<vmem>>) offsets(%dma_start3A_18 : memref<128xi32, #tpu.memory_space<vmem>>) semaphore(%arg17 : memref<!tpu.dma_semaphore, #tpu.memory_space<semaphore_mem>>)
    %scan3A = arith.constant 0 : i32
    %scan3A_22 = arith.constant 50 : i32
    %scan3A_23 = arith.addi %scan3A, %scan3A_22 : i32
    %scan3A_24 = arith.constant 1 : i32
    scf.for %scan3A_49 = %scan3A to %scan3A_23 step %scan3A_24  : i32 {
      %mul3A_50 = arith.constant 4 : i32
      %mul3A_51 = arith.muli %scan3A_49, %mul3A_50 : i32
      %add3A_52 = arith.constant 0 : i32
      %add3A_53 = arith.addi %add3A_52, %mul3A_51 : i32
      %add3A_54 = arith.constant 0 : i32
      %add3A_55 = arith.addi %add3A_53, %add3A_54 : i32
      %mul3A_56 = arith.constant 128 : i32
      %mul3A_57 = arith.muli %add3A_55, %mul3A_56 : i32
      %dma_wait3A_58 = tpu.memref_slice %arg5[%mul3A_57] : memref<25600xi32, #tpu.memory_space<vmem>> -> memref<128xi32, #tpu.memory_space<vmem>>
      %dma_wait3A_59 = arith.constant 0 : i32
      %dma_wait3A_60 = arith.constant 0 : i32
      %dma_wait3A_61 = tpu.memref_slice %arg3[%dma_wait3A_59, %dma_wait3A_60] : memref<1000000x64xf32, #tpu.memory_space<hbm>> -> memref<1000000x64xf32, #tpu.memory_space<hbm>>
      tpu.wait_indirect_dma semaphore(%arg14 : memref<!tpu.dma_semaphore, #tpu.memory_space<semaphore_mem>>) src(%dma_wait3A_61 : memref<1000000x64xf32, #tpu.memory_space<hbm>>) dst(%arg6 : memref<128x64xf32, #tpu.memory_space<vmem>>)
      %ge3A = arith.constant 4 : i32
      %ge3A_62 = arith.cmpi sge, %add3A_55, %ge3A : i32
      %convert_element_type3A = arith.extui %ge3A_62 : i1 to i32
      %cond3A = arith.constant 0 : i32
      %cond3A_63 = arith.cmpi ne, %convert_element_type3A, %cond3A : i32
      scf.if %cond3A_63 {
        %sub3A = arith.constant 4 : i32
        %sub3A_178 = arith.subi %add3A_55, %sub3A : i32
        %mul3A_179 = arith.constant 128 : i32
        %mul3A_180 = arith.muli %sub3A_178, %mul3A_179 : i32
        %add3A_181 = arith.addi %mul3A_2, %mul3A_180 : i32
        %dma_wait3A_182 = arith.constant 0 : i32
        %dma_wait3A_183 = tpu.memref_slice %arg4[%add3A_181, %dma_wait3A_182] : memref<819200x64xf32, #tpu.memory_space<hbm>> -> memref<128x64xf32, #tpu.memory_space<hbm>>
        %dma_wait3A_184 = arith.constant 0 : i32
        %dma_wait3A_185 = tpu.memref_slice %arg4[%add3A_181, %dma_wait3A_184] : memref<819200x64xf32, #tpu.memory_space<hbm>> -> memref<128x64xf32, #tpu.memory_space<hbm>>
        tpu.wait_dma2 semaphore(%arg18 : memref<!tpu.dma_semaphore, #tpu.memory_space<semaphore_mem>>) src(%arg10 : memref<128x64xf32, #tpu.memory_space<vmem>>) dst(%dma_wait3A_185 : memref<128x64xf32, #tpu.memory_space<hbm>>)
      } else {
      }
      %scan3A_64 = arith.constant 0 : i32
      %scan3A_65 = arith.constant 128 : i32
      %scan3A_66 = arith.addi %scan3A_64, %scan3A_65 : i32
      %scan3A_67 = arith.constant 1 : i32
      scf.for %scan3A_178 = %scan3A_64 to %scan3A_66 step %scan3A_67  : i32 {
        %mul3A_179 = arith.constant 1 : i32
        %mul3A_180 = arith.muli %scan3A_178, %mul3A_179 : i32
        %add3A_181 = arith.constant 0 : i32
        %add3A_182 = arith.addi %add3A_181, %mul3A_180 : i32
        %get3A = arith.index_cast %add3A_182 : i32 to index
        %get3A_183 = arith.constant 0 : index
        %get3A_184 = tpu.vector_load %arg6[%get3A, %get3A_183] {strides = array<i32>} : memref<128x64xf32, #tpu.memory_space<vmem>>, vector<1x16xf32>,
        %get3A_185 = vector.shape_cast %get3A_184 : vector<1x16xf32> to vector<16xf32>
        %mul3A_186 = arith.constant 8.000000e+00 : f32
        %mul3A_187 = vector.broadcast %mul3A_186 : f32 to vector<16xf32>
        %mul3A_188 = arith.mulf %get3A_185, %mul3A_187 : vector<16xf32>
        %swap3A = arith.index_cast %add3A_182 : i32 to index
        %swap3A_189 = arith.constant 0 : index
        %swap3A_190 = tpu.vector_load %arg10[%swap3A, %swap3A_189] {strides = array<i32>} : memref<128x64xf32, #tpu.memory_space<vmem>>, vector<1x16xf32>,
        %swap3A_191 = vector.shape_cast %swap3A_190 : vector<1x16xf32> to vector<16xf32>
        %swap3A_192 = vector.shape_cast %mul3A_188 : vector<16xf32> to vector<1x16xf32>
        tpu.vector_store %arg10[%swap3A, %swap3A_189], %swap3A_192 {strides = array<i32>} : memref<128x64xf32, #tpu.memory_space<vmem>>, vector<1x16xf32>,
        %get3A_193 = arith.index_cast %add3A_182 : i32 to index
        %get3A_194 = arith.constant 16 : index
        %get3A_195 = tpu.vector_load %arg6[%get3A_193, %get3A_194] {strides = array<i32>} : memref<128x64xf32, #tpu.memory_space<vmem>>, vector<1x16xf32>,
        %get3A_196 = vector.shape_cast %get3A_195 : vector<1x16xf32> to vector<16xf32>
        %mul3A_197 = arith.constant 8.000000e+00 : f32
        %mul3A_198 = vector.broadcast %mul3A_197 : f32 to vector<16xf32>
        %mul3A_199 = arith.mulf %get3A_196, %mul3A_198 : vector<16xf32>
        %swap3A_200 = arith.index_cast %add3A_182 : i32 to index
        %swap3A_201 = arith.constant 16 : index
        %swap3A_202 = tpu.vector_load %arg10[%swap3A_200, %swap3A_201] {strides = array<i32>} : memref<128x64xf32, #tpu.memory_space<vmem>>, vector<1x16xf32>,
        %swap3A_203 = vector.shape_cast %swap3A_202 : vector<1x16xf32> to vector<16xf32>
        %swap3A_204 = vector.shape_cast %mul3A_199 : vector<16xf32> to vector<1x16xf32>
        tpu.vector_store %arg10[%swap3A_200, %swap3A_201], %swap3A_204 {strides = array<i32>} : memref<128x64xf32, #tpu.memory_space<vmem>>, vector<1x16xf32>,
        %get3A_205 = arith.index_cast %add3A_182 : i32 to index
        %get3A_206 = arith.constant 32 : index
        %get3A_207 = tpu.vector_load %arg6[%get3A_205, %get3A_206] {strides = array<i32>} : memref<128x64xf32, #tpu.memory_space<vmem>>, vector<1x16xf32>,
        %get3A_208 = vector.shape_cast %get3A_207 : vector<1x16xf32> to vector<16xf32>
        %mul3A_209 = arith.constant 8.000000e+00 : f32
        %mul3A_210 = vector.broadcast %mul3A_209 : f32 to vector<16xf32>
        %mul3A_211 = arith.mulf %get3A_208, %mul3A_210 : vector<16xf32>
        %swap3A_212 = arith.index_cast %add3A_182 : i32 to index
        %swap3A_213 = arith.constant 32 : index
        %swap3A_214 = tpu.vector_load %arg10[%swap3A_212, %swap3A_213] {strides = array<i32>} : memref<128x64xf32, #tpu.memory_space<vmem>>, vector<1x16xf32>,
        %swap3A_215 = vector.shape_cast %swap3A_214 : vector<1x16xf32> to vector<16xf32>
        %swap3A_216 = vector.shape_cast %mul3A_211 : vector<16xf32> to vector<1x16xf32>
        tpu.vector_store %arg10[%swap3A_212, %swap3A_213], %swap3A_216 {strides = array<i32>} : memref<128x64xf32, #tpu.memory_space<vmem>>, vector<1x16xf32>,
        %get3A_217 = arith.index_cast %add3A_182 : i32 to index
        %get3A_218 = arith.constant 48 : index
        %get3A_219 = tpu.vector_load %arg6[%get3A_217, %get3A_218] {strides = array<i32>} : memref<128x64xf32, #tpu.memory_space<vmem>>, vector<1x16xf32>,
        %get3A_220 = vector.shape_cast %get3A_219 : vector<1x16xf32> to vector<16xf32>
        %mul3A_221 = arith.constant 8.000000e+00 : f32
        %mul3A_222 = vector.broadcast %mul3A_221 : f32 to vector<16xf32>
        %mul3A_223 = arith.mulf %get3A_220, %mul3A_222 : vector<16xf32>
        %swap3A_224 = arith.index_cast %add3A_182 : i32 to index
        %swap3A_225 = arith.constant 48 : index
        %swap3A_226 = tpu.vector_load %arg10[%swap3A_224, %swap3A_225] {strides = array<i32>} : memref<128x64xf32, #tpu.memory_space<vmem>>, vector<1x16xf32>,
        %swap3A_227 = vector.shape_cast %swap3A_226 : vector<1x16xf32> to vector<16xf32>
        %swap3A_228 = vector.shape_cast %mul3A_223 : vector<16xf32> to vector<1x16xf32>
        tpu.vector_store %arg10[%swap3A_224, %swap3A_225], %swap3A_228 {strides = array<i32>} : memref<128x64xf32, #tpu.memory_space<vmem>>, vector<1x16xf32>,
      }
      %scan3A_68 = arith.constant 128 : i32
      %mul3A_69 = arith.constant 128 : i32
      %mul3A_70 = arith.muli %add3A_55, %mul3A_69 : i32
      %add3A_71 = arith.addi %mul3A_2, %mul3A_70 : i32
      %dma_start3A_72 = arith.constant 0 : i32
      %dma_start3A_73 = tpu.memref_slice %arg4[%add3A_71, %dma_start3A_72] : memref<819200x64xf32, #tpu.memory_space<hbm>> -> memref<128x64xf32, #tpu.memory_space<hbm>>
      %dma_start3A_74 = arith.constant 0 : i32
      %dma_start3A_75 = tpu.memref_slice %arg4[%add3A_71, %dma_start3A_74] : memref<819200x64xf32, #tpu.memory_space<hbm>> -> memref<128x64xf32, #tpu.memory_space<hbm>>
      tpu.enqueue_dma source(%arg10 : memref<128x64xf32, #tpu.memory_space<vmem>>) target(%dma_start3A_75 : memref<128x64xf32, #tpu.memory_space<hbm>>) target_semaphore(%arg18 : memref<!tpu.dma_semaphore, #tpu.memory_space<semaphore_mem>>)
      %add3A_76 = arith.constant 4 : i32
      %add3A_77 = arith.addi %add3A_55, %add3A_76 : i32
      %lt3A = arith.constant 200 : i32
      %lt3A_78 = arith.cmpi slt, %add3A_77, %lt3A : i32
      %convert_element_type3A_79 = arith.extui %lt3A_78 : i1 to i32
      %cond3A_80 = arith.constant 0 : i32
      %cond3A_81 = arith.cmpi ne, %convert_element_type3A_79, %cond3A_80 : i32
      scf.if %cond3A_81 {
        %add3A_178 = arith.constant 4 : i32
        %add3A_179 = arith.addi %add3A_55, %add3A_178 : i32
        %mul3A_180 = arith.constant 128 : i32
        %mul3A_181 = arith.muli %add3A_179, %mul3A_180 : i32
        %dma_start3A_182 = tpu.memref_slice %arg5[%mul3A_181] : memref<25600xi32, #tpu.memory_space<vmem>> -> memref<128xi32, #tpu.memory_space<vmem>>
        %dma_start3A_183 = arith.constant 0 : i32
        %dma_start3A_184 = arith.constant 0 : i32
        %dma_start3A_185 = tpu.memref_slice %arg3[%dma_start3A_183, %dma_start3A_184] : memref<1000000x64xf32, #tpu.memory_space<hbm>> -> memref<1000000x64xf32, #tpu.memory_space<hbm>>
        tpu.enqueue_indirect_dma source(%dma_start3A_185 : memref<1000000x64xf32, #tpu.memory_space<hbm>>) target(%arg6 : memref<128x64xf32, #tpu.memory_space<vmem>>) offsets(%dma_start3A_182 : memref<128xi32, #tpu.memory_space<vmem>>) semaphore(%arg14 : memref<!tpu.dma_semaphore, #tpu.memory_space<semaphore_mem>>)
      } else {
      }
      %add3A_82 = arith.constant 1 : i32
      %add3A_83 = arith.addi %add3A_53, %add3A_82 : i32
      %mul3A_84 = arith.constant 128 : i32
      %mul3A_85 = arith.muli %add3A_83, %mul3A_84 : i32
      %dma_wait3A_86 = tpu.memref_slice %arg5[%mul3A_85] : memref<25600xi32, #tpu.memory_space<vmem>> -> memref<128xi32, #tpu.memory_space<vmem>>
      %dma_wait3A_87 = arith.constant 0 : i32
      %dma_wait3A_88 = arith.constant 0 : i32
      %dma_wait3A_89 = tpu.memref_slice %arg3[%dma_wait3A_87, %dma_wait3A_88] : memref<1000000x64xf32, #tpu.memory_space<hbm>> -> memref<1000000x64xf32, #tpu.memory_space<hbm>>
      tpu.wait_indirect_dma semaphore(%arg15 : memref<!tpu.dma_semaphore, #tpu.memory_space<semaphore_mem>>) src(%dma_wait3A_89 : memref<1000000x64xf32, #tpu.memory_space<hbm>>) dst(%arg7 : memref<128x64xf32, #tpu.memory_space<vmem>>)
      %ge3A_90 = arith.constant 4 : i32
      %ge3A_91 = arith.cmpi sge, %add3A_83, %ge3A_90 : i32
      %convert_element_type3A_92 = arith.extui %ge3A_91 : i1 to i32
      %cond3A_93 = arith.constant 0 : i32
      %cond3A_94 = arith.cmpi ne, %convert_element_type3A_92, %cond3A_93 : i32
      scf.if %cond3A_94 {
        %sub3A = arith.constant 4 : i32
        %sub3A_178 = arith.subi %add3A_83, %sub3A : i32
        %mul3A_179 = arith.constant 128 : i32
        %mul3A_180 = arith.muli %sub3A_178, %mul3A_179 : i32
        %add3A_181 = arith.addi %mul3A_2, %mul3A_180 : i32
        %dma_wait3A_182 = arith.constant 0 : i32
        %dma_wait3A_183 = tpu.memref_slice %arg4[%add3A_181, %dma_wait3A_182] : memref<819200x64xf32, #tpu.memory_space<hbm>> -> memref<128x64xf32, #tpu.memory_space<hbm>>
        %dma_wait3A_184 = arith.constant 0 : i32
        %dma_wait3A_185 = tpu.memref_slice %arg4[%add3A_181, %dma_wait3A_184] : memref<819200x64xf32, #tpu.memory_space<hbm>> -> memref<128x64xf32, #tpu.memory_space<hbm>>
        tpu.wait_dma2 semaphore(%arg19 : memref<!tpu.dma_semaphore, #tpu.memory_space<semaphore_mem>>) src(%arg11 : memref<128x64xf32, #tpu.memory_space<vmem>>) dst(%dma_wait3A_185 : memref<128x64xf32, #tpu.memory_space<hbm>>)
      } else {
      }
      %scan3A_95 = arith.constant 0 : i32
      %scan3A_96 = arith.constant 128 : i32
      %scan3A_97 = arith.addi %scan3A_95, %scan3A_96 : i32
      %scan3A_98 = arith.constant 1 : i32
      scf.for %scan3A_178 = %scan3A_95 to %scan3A_97 step %scan3A_98  : i32 {
        %mul3A_179 = arith.constant 1 : i32
        %mul3A_180 = arith.muli %scan3A_178, %mul3A_179 : i32
        %add3A_181 = arith.constant 0 : i32
        %add3A_182 = arith.addi %add3A_181, %mul3A_180 : i32
        %get3A = arith.index_cast %add3A_182 : i32 to index
        %get3A_183 = arith.constant 0 : index
        %get3A_184 = tpu.vector_load %arg7[%get3A, %get3A_183] {strides = array<i32>} : memref<128x64xf32, #tpu.memory_space<vmem>>, vector<1x16xf32>,
        %get3A_185 = vector.shape_cast %get3A_184 : vector<1x16xf32> to vector<16xf32>
        %mul3A_186 = arith.constant 8.000000e+00 : f32
        %mul3A_187 = vector.broadcast %mul3A_186 : f32 to vector<16xf32>
        %mul3A_188 = arith.mulf %get3A_185, %mul3A_187 : vector<16xf32>
        %swap3A = arith.index_cast %add3A_182 : i32 to index
        %swap3A_189 = arith.constant 0 : index
        %swap3A_190 = tpu.vector_load %arg11[%swap3A, %swap3A_189] {strides = array<i32>} : memref<128x64xf32, #tpu.memory_space<vmem>>, vector<1x16xf32>,
        %swap3A_191 = vector.shape_cast %swap3A_190 : vector<1x16xf32> to vector<16xf32>
        %swap3A_192 = vector.shape_cast %mul3A_188 : vector<16xf32> to vector<1x16xf32>
        tpu.vector_store %arg11[%swap3A, %swap3A_189], %swap3A_192 {strides = array<i32>} : memref<128x64xf32, #tpu.memory_space<vmem>>, vector<1x16xf32>,
        %get3A_193 = arith.index_cast %add3A_182 : i32 to index
        %get3A_194 = arith.constant 16 : index
        %get3A_195 = tpu.vector_load %arg7[%get3A_193, %get3A_194] {strides = array<i32>} : memref<128x64xf32, #tpu.memory_space<vmem>>, vector<1x16xf32>,
        %get3A_196 = vector.shape_cast %get3A_195 : vector<1x16xf32> to vector<16xf32>
        %mul3A_197 = arith.constant 8.000000e+00 : f32
        %mul3A_198 = vector.broadcast %mul3A_197 : f32 to vector<16xf32>
        %mul3A_199 = arith.mulf %get3A_196, %mul3A_198 : vector<16xf32>
        %swap3A_200 = arith.index_cast %add3A_182 : i32 to index
        %swap3A_201 = arith.constant 16 : index
        %swap3A_202 = tpu.vector_load %arg11[%swap3A_200, %swap3A_201] {strides = array<i32>} : memref<128x64xf32, #tpu.memory_space<vmem>>, vector<1x16xf32>,
        %swap3A_203 = vector.shape_cast %swap3A_202 : vector<1x16xf32> to vector<16xf32>
        %swap3A_204 = vector.shape_cast %mul3A_199 : vector<16xf32> to vector<1x16xf32>
        tpu.vector_store %arg11[%swap3A_200, %swap3A_201], %swap3A_204 {strides = array<i32>} : memref<128x64xf32, #tpu.memory_space<vmem>>, vector<1x16xf32>,
        %get3A_205 = arith.index_cast %add3A_182 : i32 to index
        %get3A_206 = arith.constant 32 : index
        %get3A_207 = tpu.vector_load %arg7[%get3A_205, %get3A_206] {strides = array<i32>} : memref<128x64xf32, #tpu.memory_space<vmem>>, vector<1x16xf32>,
        %get3A_208 = vector.shape_cast %get3A_207 : vector<1x16xf32> to vector<16xf32>
        %mul3A_209 = arith.constant 8.000000e+00 : f32
        %mul3A_210 = vector.broadcast %mul3A_209 : f32 to vector<16xf32>
        %mul3A_211 = arith.mulf %get3A_208, %mul3A_210 : vector<16xf32>
        %swap3A_212 = arith.index_cast %add3A_182 : i32 to index
        %swap3A_213 = arith.constant 32 : index
        %swap3A_214 = tpu.vector_load %arg11[%swap3A_212, %swap3A_213] {strides = array<i32>} : memref<128x64xf32, #tpu.memory_space<vmem>>, vector<1x16xf32>,
        %swap3A_215 = vector.shape_cast %swap3A_214 : vector<1x16xf32> to vector<16xf32>
        %swap3A_216 = vector.shape_cast %mul3A_211 : vector<16xf32> to vector<1x16xf32>
        tpu.vector_store %arg11[%swap3A_212, %swap3A_213], %swap3A_216 {strides = array<i32>} : memref<128x64xf32, #tpu.memory_space<vmem>>, vector<1x16xf32>,
        %get3A_217 = arith.index_cast %add3A_182 : i32 to index
        %get3A_218 = arith.constant 48 : index
        %get3A_219 = tpu.vector_load %arg7[%get3A_217, %get3A_218] {strides = array<i32>} : memref<128x64xf32, #tpu.memory_space<vmem>>, vector<1x16xf32>,
        %get3A_220 = vector.shape_cast %get3A_219 : vector<1x16xf32> to vector<16xf32>
        %mul3A_221 = arith.constant 8.000000e+00 : f32
        %mul3A_222 = vector.broadcast %mul3A_221 : f32 to vector<16xf32>
        %mul3A_223 = arith.mulf %get3A_220, %mul3A_222 : vector<16xf32>
        %swap3A_224 = arith.index_cast %add3A_182 : i32 to index
        %swap3A_225 = arith.constant 48 : index
        %swap3A_226 = tpu.vector_load %arg11[%swap3A_224, %swap3A_225] {strides = array<i32>} : memref<128x64xf32, #tpu.memory_space<vmem>>, vector<1x16xf32>,
        %swap3A_227 = vector.shape_cast %swap3A_226 : vector<1x16xf32> to vector<16xf32>
        %swap3A_228 = vector.shape_cast %mul3A_223 : vector<16xf32> to vector<1x16xf32>
        tpu.vector_store %arg11[%swap3A_224, %swap3A_225], %swap3A_228 {strides = array<i32>} : memref<128x64xf32, #tpu.memory_space<vmem>>, vector<1x16xf32>,
      }
      %scan3A_99 = arith.constant 128 : i32
      %mul3A_100 = arith.constant 128 : i32
      %mul3A_101 = arith.muli %add3A_83, %mul3A_100 : i32
      %add3A_102 = arith.addi %mul3A_2, %mul3A_101 : i32
      %dma_start3A_103 = arith.constant 0 : i32
      %dma_start3A_104 = tpu.memref_slice %arg4[%add3A_102, %dma_start3A_103] : memref<819200x64xf32, #tpu.memory_space<hbm>> -> memref<128x64xf32, #tpu.memory_space<hbm>>
      %dma_start3A_105 = arith.constant 0 : i32
      %dma_start3A_106 = tpu.memref_slice %arg4[%add3A_102, %dma_start3A_105] : memref<819200x64xf32, #tpu.memory_space<hbm>> -> memref<128x64xf32, #tpu.memory_space<hbm>>
      tpu.enqueue_dma source(%arg11 : memref<128x64xf32, #tpu.memory_space<vmem>>) target(%dma_start3A_106 : memref<128x64xf32, #tpu.memory_space<hbm>>) target_semaphore(%arg19 : memref<!tpu.dma_semaphore, #tpu.memory_space<semaphore_mem>>)
      %add3A_107 = arith.constant 4 : i32
      %add3A_108 = arith.addi %add3A_83, %add3A_107 : i32
      %lt3A_109 = arith.constant 200 : i32
      %lt3A_110 = arith.cmpi slt, %add3A_108, %lt3A_109 : i32
      %convert_element_type3A_111 = arith.extui %lt3A_110 : i1 to i32
      %cond3A_112 = arith.constant 0 : i32
      %cond3A_113 = arith.cmpi ne, %convert_element_type3A_111, %cond3A_112 : i32
      scf.if %cond3A_113 {
        %add3A_178 = arith.constant 4 : i32
        %add3A_179 = arith.addi %add3A_83, %add3A_178 : i32
        %mul3A_180 = arith.constant 128 : i32
        %mul3A_181 = arith.muli %add3A_179, %mul3A_180 : i32
        %dma_start3A_182 = tpu.memref_slice %arg5[%mul3A_181] : memref<25600xi32, #tpu.memory_space<vmem>> -> memref<128xi32, #tpu.memory_space<vmem>>
        %dma_start3A_183 = arith.constant 0 : i32
        %dma_start3A_184 = arith.constant 0 : i32
        %dma_start3A_185 = tpu.memref_slice %arg3[%dma_start3A_183, %dma_start3A_184] : memref<1000000x64xf32, #tpu.memory_space<hbm>> -> memref<1000000x64xf32, #tpu.memory_space<hbm>>
        tpu.enqueue_indirect_dma source(%dma_start3A_185 : memref<1000000x64xf32, #tpu.memory_space<hbm>>) target(%arg7 : memref<128x64xf32, #tpu.memory_space<vmem>>) offsets(%dma_start3A_182 : memref<128xi32, #tpu.memory_space<vmem>>) semaphore(%arg15 : memref<!tpu.dma_semaphore, #tpu.memory_space<semaphore_mem>>)
      } else {
      }
      %add3A_114 = arith.constant 2 : i32
      %add3A_115 = arith.addi %add3A_53, %add3A_114 : i32
      %mul3A_116 = arith.constant 128 : i32
      %mul3A_117 = arith.muli %add3A_115, %mul3A_116 : i32
      %dma_wait3A_118 = tpu.memref_slice %arg5[%mul3A_117] : memref<25600xi32, #tpu.memory_space<vmem>> -> memref<128xi32, #tpu.memory_space<vmem>>
      %dma_wait3A_119 = arith.constant 0 : i32
      %dma_wait3A_120 = arith.constant 0 : i32
      %dma_wait3A_121 = tpu.memref_slice %arg3[%dma_wait3A_119, %dma_wait3A_120] : memref<1000000x64xf32, #tpu.memory_space<hbm>> -> memref<1000000x64xf32, #tpu.memory_space<hbm>>
      tpu.wait_indirect_dma semaphore(%arg16 : memref<!tpu.dma_semaphore, #tpu.memory_space<semaphore_mem>>) src(%dma_wait3A_121 : memref<1000000x64xf32, #tpu.memory_space<hbm>>) dst(%arg8 : memref<128x64xf32, #tpu.memory_space<vmem>>)
      %ge3A_122 = arith.constant 4 : i32
      %ge3A_123 = arith.cmpi sge, %add3A_115, %ge3A_122 : i32
      %convert_element_type3A_124 = arith.extui %ge3A_123 : i1 to i32
      %cond3A_125 = arith.constant 0 : i32
      %cond3A_126 = arith.cmpi ne, %convert_element_type3A_124, %cond3A_125 : i32
      scf.if %cond3A_126 {
        %sub3A = arith.constant 4 : i32
        %sub3A_178 = arith.subi %add3A_115, %sub3A : i32
        %mul3A_179 = arith.constant 128 : i32
        %mul3A_180 = arith.muli %sub3A_178, %mul3A_179 : i32
        %add3A_181 = arith.addi %mul3A_2, %mul3A_180 : i32
        %dma_wait3A_182 = arith.constant 0 : i32
        %dma_wait3A_183 = tpu.memref_slice %arg4[%add3A_181, %dma_wait3A_182] : memref<819200x64xf32, #tpu.memory_space<hbm>> -> memref<128x64xf32, #tpu.memory_space<hbm>>
        %dma_wait3A_184 = arith.constant 0 : i32
        %dma_wait3A_185 = tpu.memref_slice %arg4[%add3A_181, %dma_wait3A_184] : memref<819200x64xf32, #tpu.memory_space<hbm>> -> memref<128x64xf32, #tpu.memory_space<hbm>>
        tpu.wait_dma2 semaphore(%arg20 : memref<!tpu.dma_semaphore, #tpu.memory_space<semaphore_mem>>) src(%arg12 : memref<128x64xf32, #tpu.memory_space<vmem>>) dst(%dma_wait3A_185 : memref<128x64xf32, #tpu.memory_space<hbm>>)
      } else {
      }
      %scan3A_127 = arith.constant 0 : i32
      %scan3A_128 = arith.constant 128 : i32
      %scan3A_129 = arith.addi %scan3A_127, %scan3A_128 : i32
      %scan3A_130 = arith.constant 1 : i32
      scf.for %scan3A_178 = %scan3A_127 to %scan3A_129 step %scan3A_130  : i32 {
        %mul3A_179 = arith.constant 1 : i32
        %mul3A_180 = arith.muli %scan3A_178, %mul3A_179 : i32
        %add3A_181 = arith.constant 0 : i32
        %add3A_182 = arith.addi %add3A_181, %mul3A_180 : i32
        %get3A = arith.index_cast %add3A_182 : i32 to index
        %get3A_183 = arith.constant 0 : index
        %get3A_184 = tpu.vector_load %arg8[%get3A, %get3A_183] {strides = array<i32>} : memref<128x64xf32, #tpu.memory_space<vmem>>, vector<1x16xf32>,
        %get3A_185 = vector.shape_cast %get3A_184 : vector<1x16xf32> to vector<16xf32>
        %mul3A_186 = arith.constant 8.000000e+00 : f32
        %mul3A_187 = vector.broadcast %mul3A_186 : f32 to vector<16xf32>
        %mul3A_188 = arith.mulf %get3A_185, %mul3A_187 : vector<16xf32>
        %swap3A = arith.index_cast %add3A_182 : i32 to index
        %swap3A_189 = arith.constant 0 : index
        %swap3A_190 = tpu.vector_load %arg12[%swap3A, %swap3A_189] {strides = array<i32>} : memref<128x64xf32, #tpu.memory_space<vmem>>, vector<1x16xf32>,
        %swap3A_191 = vector.shape_cast %swap3A_190 : vector<1x16xf32> to vector<16xf32>
        %swap3A_192 = vector.shape_cast %mul3A_188 : vector<16xf32> to vector<1x16xf32>
        tpu.vector_store %arg12[%swap3A, %swap3A_189], %swap3A_192 {strides = array<i32>} : memref<128x64xf32, #tpu.memory_space<vmem>>, vector<1x16xf32>,
        %get3A_193 = arith.index_cast %add3A_182 : i32 to index
        %get3A_194 = arith.constant 16 : index
        %get3A_195 = tpu.vector_load %arg8[%get3A_193, %get3A_194] {strides = array<i32>} : memref<128x64xf32, #tpu.memory_space<vmem>>, vector<1x16xf32>,
        %get3A_196 = vector.shape_cast %get3A_195 : vector<1x16xf32> to vector<16xf32>
        %mul3A_197 = arith.constant 8.000000e+00 : f32
        %mul3A_198 = vector.broadcast %mul3A_197 : f32 to vector<16xf32>
        %mul3A_199 = arith.mulf %get3A_196, %mul3A_198 : vector<16xf32>
        %swap3A_200 = arith.index_cast %add3A_182 : i32 to index
        %swap3A_201 = arith.constant 16 : index
        %swap3A_202 = tpu.vector_load %arg12[%swap3A_200, %swap3A_201] {strides = array<i32>} : memref<128x64xf32, #tpu.memory_space<vmem>>, vector<1x16xf32>,
        %swap3A_203 = vector.shape_cast %swap3A_202 : vector<1x16xf32> to vector<16xf32>
        %swap3A_204 = vector.shape_cast %mul3A_199 : vector<16xf32> to vector<1x16xf32>
        tpu.vector_store %arg12[%swap3A_200, %swap3A_201], %swap3A_204 {strides = array<i32>} : memref<128x64xf32, #tpu.memory_space<vmem>>, vector<1x16xf32>,
        %get3A_205 = arith.index_cast %add3A_182 : i32 to index
        %get3A_206 = arith.constant 32 : index
        %get3A_207 = tpu.vector_load %arg8[%get3A_205, %get3A_206] {strides = array<i32>} : memref<128x64xf32, #tpu.memory_space<vmem>>, vector<1x16xf32>,
        %get3A_208 = vector.shape_cast %get3A_207 : vector<1x16xf32> to vector<16xf32>
        %mul3A_209 = arith.constant 8.000000e+00 : f32
        %mul3A_210 = vector.broadcast %mul3A_209 : f32 to vector<16xf32>
        %mul3A_211 = arith.mulf %get3A_208, %mul3A_210 : vector<16xf32>
        %swap3A_212 = arith.index_cast %add3A_182 : i32 to index
        %swap3A_213 = arith.constant 32 : index
        %swap3A_214 = tpu.vector_load %arg12[%swap3A_212, %swap3A_213] {strides = array<i32>} : memref<128x64xf32, #tpu.memory_space<vmem>>, vector<1x16xf32>,
        %swap3A_215 = vector.shape_cast %swap3A_214 : vector<1x16xf32> to vector<16xf32>
        %swap3A_216 = vector.shape_cast %mul3A_211 : vector<16xf32> to vector<1x16xf32>
        tpu.vector_store %arg12[%swap3A_212, %swap3A_213], %swap3A_216 {strides = array<i32>} : memref<128x64xf32, #tpu.memory_space<vmem>>, vector<1x16xf32>,
        %get3A_217 = arith.index_cast %add3A_182 : i32 to index
        %get3A_218 = arith.constant 48 : index
        %get3A_219 = tpu.vector_load %arg8[%get3A_217, %get3A_218] {strides = array<i32>} : memref<128x64xf32, #tpu.memory_space<vmem>>, vector<1x16xf32>,
        %get3A_220 = vector.shape_cast %get3A_219 : vector<1x16xf32> to vector<16xf32>
        %mul3A_221 = arith.constant 8.000000e+00 : f32
        %mul3A_222 = vector.broadcast %mul3A_221 : f32 to vector<16xf32>
        %mul3A_223 = arith.mulf %get3A_220, %mul3A_222 : vector<16xf32>
        %swap3A_224 = arith.index_cast %add3A_182 : i32 to index
        %swap3A_225 = arith.constant 48 : index
        %swap3A_226 = tpu.vector_load %arg12[%swap3A_224, %swap3A_225] {strides = array<i32>} : memref<128x64xf32, #tpu.memory_space<vmem>>, vector<1x16xf32>,
        %swap3A_227 = vector.shape_cast %swap3A_226 : vector<1x16xf32> to vector<16xf32>
        %swap3A_228 = vector.shape_cast %mul3A_223 : vector<16xf32> to vector<1x16xf32>
        tpu.vector_store %arg12[%swap3A_224, %swap3A_225], %swap3A_228 {strides = array<i32>} : memref<128x64xf32, #tpu.memory_space<vmem>>, vector<1x16xf32>,
      }
      %scan3A_131 = arith.constant 128 : i32
      %mul3A_132 = arith.constant 128 : i32
      %mul3A_133 = arith.muli %add3A_115, %mul3A_132 : i32
      %add3A_134 = arith.addi %mul3A_2, %mul3A_133 : i32
      %dma_start3A_135 = arith.constant 0 : i32
      %dma_start3A_136 = tpu.memref_slice %arg4[%add3A_134, %dma_start3A_135] : memref<819200x64xf32, #tpu.memory_space<hbm>> -> memref<128x64xf32, #tpu.memory_space<hbm>>
      %dma_start3A_137 = arith.constant 0 : i32
      %dma_start3A_138 = tpu.memref_slice %arg4[%add3A_134, %dma_start3A_137] : memref<819200x64xf32, #tpu.memory_space<hbm>> -> memref<128x64xf32, #tpu.memory_space<hbm>>
      tpu.enqueue_dma source(%arg12 : memref<128x64xf32, #tpu.memory_space<vmem>>) target(%dma_start3A_138 : memref<128x64xf32, #tpu.memory_space<hbm>>) target_semaphore(%arg20 : memref<!tpu.dma_semaphore, #tpu.memory_space<semaphore_mem>>)
      %add3A_139 = arith.constant 4 : i32
      %add3A_140 = arith.addi %add3A_115, %add3A_139 : i32
      %lt3A_141 = arith.constant 200 : i32
      %lt3A_142 = arith.cmpi slt, %add3A_140, %lt3A_141 : i32
      %convert_element_type3A_143 = arith.extui %lt3A_142 : i1 to i32
      %cond3A_144 = arith.constant 0 : i32
      %cond3A_145 = arith.cmpi ne, %convert_element_type3A_143, %cond3A_144 : i32
      scf.if %cond3A_145 {
        %add3A_178 = arith.constant 4 : i32
        %add3A_179 = arith.addi %add3A_115, %add3A_178 : i32
        %mul3A_180 = arith.constant 128 : i32
        %mul3A_181 = arith.muli %add3A_179, %mul3A_180 : i32
        %dma_start3A_182 = tpu.memref_slice %arg5[%mul3A_181] : memref<25600xi32, #tpu.memory_space<vmem>> -> memref<128xi32, #tpu.memory_space<vmem>>
        %dma_start3A_183 = arith.constant 0 : i32
        %dma_start3A_184 = arith.constant 0 : i32
        %dma_start3A_185 = tpu.memref_slice %arg3[%dma_start3A_183, %dma_start3A_184] : memref<1000000x64xf32, #tpu.memory_space<hbm>> -> memref<1000000x64xf32, #tpu.memory_space<hbm>>
        tpu.enqueue_indirect_dma source(%dma_start3A_185 : memref<1000000x64xf32, #tpu.memory_space<hbm>>) target(%arg8 : memref<128x64xf32, #tpu.memory_space<vmem>>) offsets(%dma_start3A_182 : memref<128xi32, #tpu.memory_space<vmem>>) semaphore(%arg16 : memref<!tpu.dma_semaphore, #tpu.memory_space<semaphore_mem>>)
      } else {
      }
      %add3A_146 = arith.constant 3 : i32
      %add3A_147 = arith.addi %add3A_53, %add3A_146 : i32
      %mul3A_148 = arith.constant 128 : i32
      %mul3A_149 = arith.muli %add3A_147, %mul3A_148 : i32
      %dma_wait3A_150 = tpu.memref_slice %arg5[%mul3A_149] : memref<25600xi32, #tpu.memory_space<vmem>> -> memref<128xi32, #tpu.memory_space<vmem>>
      %dma_wait3A_151 = arith.constant 0 : i32
      %dma_wait3A_152 = arith.constant 0 : i32
      %dma_wait3A_153 = tpu.memref_slice %arg3[%dma_wait3A_151, %dma_wait3A_152] : memref<1000000x64xf32, #tpu.memory_space<hbm>> -> memref<1000000x64xf32, #tpu.memory_space<hbm>>
      tpu.wait_indirect_dma semaphore(%arg17 : memref<!tpu.dma_semaphore, #tpu.memory_space<semaphore_mem>>) src(%dma_wait3A_153 : memref<1000000x64xf32, #tpu.memory_space<hbm>>) dst(%arg9 : memref<128x64xf32, #tpu.memory_space<vmem>>)
      %ge3A_154 = arith.constant 4 : i32
      %ge3A_155 = arith.cmpi sge, %add3A_147, %ge3A_154 : i32
      %convert_element_type3A_156 = arith.extui %ge3A_155 : i1 to i32
      %cond3A_157 = arith.constant 0 : i32
      %cond3A_158 = arith.cmpi ne, %convert_element_type3A_156, %cond3A_157 : i32
      scf.if %cond3A_158 {
        %sub3A = arith.constant 4 : i32
        %sub3A_178 = arith.subi %add3A_147, %sub3A : i32
        %mul3A_179 = arith.constant 128 : i32
        %mul3A_180 = arith.muli %sub3A_178, %mul3A_179 : i32
        %add3A_181 = arith.addi %mul3A_2, %mul3A_180 : i32
        %dma_wait3A_182 = arith.constant 0 : i32
        %dma_wait3A_183 = tpu.memref_slice %arg4[%add3A_181, %dma_wait3A_182] : memref<819200x64xf32, #tpu.memory_space<hbm>> -> memref<128x64xf32, #tpu.memory_space<hbm>>
        %dma_wait3A_184 = arith.constant 0 : i32
        %dma_wait3A_185 = tpu.memref_slice %arg4[%add3A_181, %dma_wait3A_184] : memref<819200x64xf32, #tpu.memory_space<hbm>> -> memref<128x64xf32, #tpu.memory_space<hbm>>
        tpu.wait_dma2 semaphore(%arg21 : memref<!tpu.dma_semaphore, #tpu.memory_space<semaphore_mem>>) src(%arg13 : memref<128x64xf32, #tpu.memory_space<vmem>>) dst(%dma_wait3A_185 : memref<128x64xf32, #tpu.memory_space<hbm>>)
      } else {
      }
      %scan3A_159 = arith.constant 0 : i32
      %scan3A_160 = arith.constant 128 : i32
      %scan3A_161 = arith.addi %scan3A_159, %scan3A_160 : i32
      %scan3A_162 = arith.constant 1 : i32
      scf.for %scan3A_178 = %scan3A_159 to %scan3A_161 step %scan3A_162  : i32 {
        %mul3A_179 = arith.constant 1 : i32
        %mul3A_180 = arith.muli %scan3A_178, %mul3A_179 : i32
        %add3A_181 = arith.constant 0 : i32
        %add3A_182 = arith.addi %add3A_181, %mul3A_180 : i32
        %get3A = arith.index_cast %add3A_182 : i32 to index
        %get3A_183 = arith.constant 0 : index
        %get3A_184 = tpu.vector_load %arg9[%get3A, %get3A_183] {strides = array<i32>} : memref<128x64xf32, #tpu.memory_space<vmem>>, vector<1x16xf32>,
        %get3A_185 = vector.shape_cast %get3A_184 : vector<1x16xf32> to vector<16xf32>
        %mul3A_186 = arith.constant 8.000000e+00 : f32
        %mul3A_187 = vector.broadcast %mul3A_186 : f32 to vector<16xf32>
        %mul3A_188 = arith.mulf %get3A_185, %mul3A_187 : vector<16xf32>
        %swap3A = arith.index_cast %add3A_182 : i32 to index
        %swap3A_189 = arith.constant 0 : index
        %swap3A_190 = tpu.vector_load %arg13[%swap3A, %swap3A_189] {strides = array<i32>} : memref<128x64xf32, #tpu.memory_space<vmem>>, vector<1x16xf32>,
        %swap3A_191 = vector.shape_cast %swap3A_190 : vector<1x16xf32> to vector<16xf32>
        %swap3A_192 = vector.shape_cast %mul3A_188 : vector<16xf32> to vector<1x16xf32>
        tpu.vector_store %arg13[%swap3A, %swap3A_189], %swap3A_192 {strides = array<i32>} : memref<128x64xf32, #tpu.memory_space<vmem>>, vector<1x16xf32>,
        %get3A_193 = arith.index_cast %add3A_182 : i32 to index
        %get3A_194 = arith.constant 16 : index
        %get3A_195 = tpu.vector_load %arg9[%get3A_193, %get3A_194] {strides = array<i32>} : memref<128x64xf32, #tpu.memory_space<vmem>>, vector<1x16xf32>,
        %get3A_196 = vector.shape_cast %get3A_195 : vector<1x16xf32> to vector<16xf32>
        %mul3A_197 = arith.constant 8.000000e+00 : f32
        %mul3A_198 = vector.broadcast %mul3A_197 : f32 to vector<16xf32>
        %mul3A_199 = arith.mulf %get3A_196, %mul3A_198 : vector<16xf32>
        %swap3A_200 = arith.index_cast %add3A_182 : i32 to index
        %swap3A_201 = arith.constant 16 : index
        %swap3A_202 = tpu.vector_load %arg13[%swap3A_200, %swap3A_201] {strides = array<i32>} : memref<128x64xf32, #tpu.memory_space<vmem>>, vector<1x16xf32>,
        %swap3A_203 = vector.shape_cast %swap3A_202 : vector<1x16xf32> to vector<16xf32>
        %swap3A_204 = vector.shape_cast %mul3A_199 : vector<16xf32> to vector<1x16xf32>
        tpu.vector_store %arg13[%swap3A_200, %swap3A_201], %swap3A_204 {strides = array<i32>} : memref<128x64xf32, #tpu.memory_space<vmem>>, vector<1x16xf32>,
        %get3A_205 = arith.index_cast %add3A_182 : i32 to index
        %get3A_206 = arith.constant 32 : index
        %get3A_207 = tpu.vector_load %arg9[%get3A_205, %get3A_206] {strides = array<i32>} : memref<128x64xf32, #tpu.memory_space<vmem>>, vector<1x16xf32>,
        %get3A_208 = vector.shape_cast %get3A_207 : vector<1x16xf32> to vector<16xf32>
        %mul3A_209 = arith.constant 8.000000e+00 : f32
        %mul3A_210 = vector.broadcast %mul3A_209 : f32 to vector<16xf32>
        %mul3A_211 = arith.mulf %get3A_208, %mul3A_210 : vector<16xf32>
        %swap3A_212 = arith.index_cast %add3A_182 : i32 to index
        %swap3A_213 = arith.constant 32 : index
        %swap3A_214 = tpu.vector_load %arg13[%swap3A_212, %swap3A_213] {strides = array<i32>} : memref<128x64xf32, #tpu.memory_space<vmem>>, vector<1x16xf32>,
        %swap3A_215 = vector.shape_cast %swap3A_214 : vector<1x16xf32> to vector<16xf32>
        %swap3A_216 = vector.shape_cast %mul3A_211 : vector<16xf32> to vector<1x16xf32>
        tpu.vector_store %arg13[%swap3A_212, %swap3A_213], %swap3A_216 {strides = array<i32>} : memref<128x64xf32, #tpu.memory_space<vmem>>, vector<1x16xf32>,
        %get3A_217 = arith.index_cast %add3A_182 : i32 to index
        %get3A_218 = arith.constant 48 : index
        %get3A_219 = tpu.vector_load %arg9[%get3A_217, %get3A_218] {strides = array<i32>} : memref<128x64xf32, #tpu.memory_space<vmem>>, vector<1x16xf32>,
        %get3A_220 = vector.shape_cast %get3A_219 : vector<1x16xf32> to vector<16xf32>
        %mul3A_221 = arith.constant 8.000000e+00 : f32
        %mul3A_222 = vector.broadcast %mul3A_221 : f32 to vector<16xf32>
        %mul3A_223 = arith.mulf %get3A_220, %mul3A_222 : vector<16xf32>
        %swap3A_224 = arith.index_cast %add3A_182 : i32 to index
        %swap3A_225 = arith.constant 48 : index
        %swap3A_226 = tpu.vector_load %arg13[%swap3A_224, %swap3A_225] {strides = array<i32>} : memref<128x64xf32, #tpu.memory_space<vmem>>, vector<1x16xf32>,
        %swap3A_227 = vector.shape_cast %swap3A_226 : vector<1x16xf32> to vector<16xf32>
        %swap3A_228 = vector.shape_cast %mul3A_223 : vector<16xf32> to vector<1x16xf32>
        tpu.vector_store %arg13[%swap3A_224, %swap3A_225], %swap3A_228 {strides = array<i32>} : memref<128x64xf32, #tpu.memory_space<vmem>>, vector<1x16xf32>,
      }
      %scan3A_163 = arith.constant 128 : i32
      %mul3A_164 = arith.constant 128 : i32
      %mul3A_165 = arith.muli %add3A_147, %mul3A_164 : i32
      %add3A_166 = arith.addi %mul3A_2, %mul3A_165 : i32
      %dma_start3A_167 = arith.constant 0 : i32
      %dma_start3A_168 = tpu.memref_slice %arg4[%add3A_166, %dma_start3A_167] : memref<819200x64xf32, #tpu.memory_space<hbm>> -> memref<128x64xf32, #tpu.memory_space<hbm>>
      %dma_start3A_169 = arith.constant 0 : i32
      %dma_start3A_170 = tpu.memref_slice %arg4[%add3A_166, %dma_start3A_169] : memref<819200x64xf32, #tpu.memory_space<hbm>> -> memref<128x64xf32, #tpu.memory_space<hbm>>
      tpu.enqueue_dma source(%arg13 : memref<128x64xf32, #tpu.memory_space<vmem>>) target(%dma_start3A_170 : memref<128x64xf32, #tpu.memory_space<hbm>>) target_semaphore(%arg21 : memref<!tpu.dma_semaphore, #tpu.memory_space<semaphore_mem>>)
      %add3A_171 = arith.constant 4 : i32
      %add3A_172 = arith.addi %add3A_147, %add3A_171 : i32
      %lt3A_173 = arith.constant 200 : i32
      %lt3A_174 = arith.cmpi slt, %add3A_172, %lt3A_173 : i32
      %convert_element_type3A_175 = arith.extui %lt3A_174 : i1 to i32
      %cond3A_176 = arith.constant 0 : i32
      %cond3A_177 = arith.cmpi ne, %convert_element_type3A_175, %cond3A_176 : i32
      scf.if %cond3A_177 {
        %add3A_178 = arith.constant 4 : i32
        %add3A_179 = arith.addi %add3A_147, %add3A_178 : i32
        %mul3A_180 = arith.constant 128 : i32
        %mul3A_181 = arith.muli %add3A_179, %mul3A_180 : i32
        %dma_start3A_182 = tpu.memref_slice %arg5[%mul3A_181] : memref<25600xi32, #tpu.memory_space<vmem>> -> memref<128xi32, #tpu.memory_space<vmem>>
        %dma_start3A_183 = arith.constant 0 : i32
        %dma_start3A_184 = arith.constant 0 : i32
        %dma_start3A_185 = tpu.memref_slice %arg3[%dma_start3A_183, %dma_start3A_184] : memref<1000000x64xf32, #tpu.memory_space<hbm>> -> memref<1000000x64xf32, #tpu.memory_space<hbm>>
        tpu.enqueue_indirect_dma source(%dma_start3A_185 : memref<1000000x64xf32, #tpu.memory_space<hbm>>) target(%arg9 : memref<128x64xf32, #tpu.memory_space<vmem>>) offsets(%dma_start3A_182 : memref<128xi32, #tpu.memory_space<vmem>>) semaphore(%arg17 : memref<!tpu.dma_semaphore, #tpu.memory_space<semaphore_mem>>)
      } else {
      }
    }
    %scan3A_25 = arith.constant 50 : i32
    %add3A_26 = arith.constant 25088 : i32
    %add3A_27 = arith.addi %mul3A_2, %add3A_26 : i32
    %dma_wait3A = arith.constant 0 : i32
    %dma_wait3A_28 = tpu.memref_slice %arg4[%add3A_27, %dma_wait3A] : memref<819200x64xf32, #tpu.memory_space<hbm>> -> memref<128x64xf32, #tpu.memory_space<hbm>>
    %dma_wait3A_29 = arith.constant 0 : i32
    %dma_wait3A_30 = tpu.memref_slice %arg4[%add3A_27, %dma_wait3A_29] : memref<819200x64xf32, #tpu.memory_space<hbm>> -> memref<128x64xf32, #tpu.memory_space<hbm>>
    tpu.wait_dma2 semaphore(%arg18 : memref<!tpu.dma_semaphore, #tpu.memory_space<semaphore_mem>>) src(%arg10 : memref<128x64xf32, #tpu.memory_space<vmem>>) dst(%dma_wait3A_30 : memref<128x64xf32, #tpu.memory_space<hbm>>)
    %add3A_31 = arith.constant 25216 : i32
    %add3A_32 = arith.addi %mul3A_2, %add3A_31 : i32
    %dma_wait3A_33 = arith.constant 0 : i32
    %dma_wait3A_34 = tpu.memref_slice %arg4[%add3A_32, %dma_wait3A_33] : memref<819200x64xf32, #tpu.memory_space<hbm>> -> memref<128x64xf32, #tpu.memory_space<hbm>>
    %dma_wait3A_35 = arith.constant 0 : i32
    %dma_wait3A_36 = tpu.memref_slice %arg4[%add3A_32, %dma_wait3A_35] : memref<819200x64xf32, #tpu.memory_space<hbm>> -> memref<128x64xf32, #tpu.memory_space<hbm>>
    tpu.wait_dma2 semaphore(%arg19 : memref<!tpu.dma_semaphore, #tpu.memory_space<semaphore_mem>>) src(%arg11 : memref<128x64xf32, #tpu.memory_space<vmem>>) dst(%dma_wait3A_36 : memref<128x64xf32, #tpu.memory_space<hbm>>)
    %add3A_37 = arith.constant 25344 : i32
    %add3A_38 = arith.addi %mul3A_2, %add3A_37 : i32
    %dma_wait3A_39 = arith.constant 0 : i32
    %dma_wait3A_40 = tpu.memref_slice %arg4[%add3A_38, %dma_wait3A_39] : memref<819200x64xf32, #tpu.memory_space<hbm>> -> memref<128x64xf32, #tpu.memory_space<hbm>>
    %dma_wait3A_41 = arith.constant 0 : i32
    %dma_wait3A_42 = tpu.memref_slice %arg4[%add3A_38, %dma_wait3A_41] : memref<819200x64xf32, #tpu.memory_space<hbm>> -> memref<128x64xf32, #tpu.memory_space<hbm>>
    tpu.wait_dma2 semaphore(%arg20 : memref<!tpu.dma_semaphore, #tpu.memory_space<semaphore_mem>>) src(%arg12 : memref<128x64xf32, #tpu.memory_space<vmem>>) dst(%dma_wait3A_42 : memref<128x64xf32, #tpu.memory_space<hbm>>)
    %add3A_43 = arith.constant 25472 : i32
    %add3A_44 = arith.addi %mul3A_2, %add3A_43 : i32
    %dma_wait3A_45 = arith.constant 0 : i32
    %dma_wait3A_46 = tpu.memref_slice %arg4[%add3A_44, %dma_wait3A_45] : memref<819200x64xf32, #tpu.memory_space<hbm>> -> memref<128x64xf32, #tpu.memory_space<hbm>>
    %dma_wait3A_47 = arith.constant 0 : i32
    %dma_wait3A_48 = tpu.memref_slice %arg4[%add3A_44, %dma_wait3A_47] : memref<819200x64xf32, #tpu.memory_space<hbm>> -> memref<128x64xf32, #tpu.memory_space<hbm>>
    tpu.wait_dma2 semaphore(%arg21 : memref<!tpu.dma_semaphore, #tpu.memory_space<semaphore_mem>>) src(%arg13 : memref<128x64xf32, #tpu.memory_space<vmem>>) dst(%dma_wait3A_48 : memref<128x64xf32, #tpu.memory_space<hbm>>)
    return
  }
}

</mosaic_0001>

<sc_bundles>
// kernel: kernel.3.cloned.1.call-start
scs
__scs_entry_jumppad:
0x0: {  	(pc) =	sbr.rel $0x88, $3  }
0x1: {  	(tag) =	ssettag $0x0;
	lr =	simm.s32 $0x1  }
0x2: {  	[smem:$0x3F9F] =	sst lr;
	_ =	strace $0xD0000000  }
0x3: {  	_ = 	snop  }
0x4: {  	_ = 	snop  }
0x5: {  	_ = 	snop  }
0x6: {  	_ = 	snop  }
0x7: {  	_ = 	snop  }
__scs_overlays_trampoline_lowered:
0x8: {  	[smem:$0x3FAE] =	sst s0  }
0x9: {  	[smem:$0x3FAF] =	sst s1  }
0xa: {  	[smem:$0x3FB0] =	sst s2  }
0xb: {  	[smem:$0x3FB1] =	sst s3  }
0xc: {  	[smem:$0x3FB2] =	sst s4  }
0xd: {  	[smem:$0x3FB3] =	sst s5  }
0xe: {  	[smem:$0x3FB4] =	sst s6  }
0xf: {  	[smem:$0x3FB5] =	sst s7  }
0x10: {  	[smem:$0x3FB6] =	sst s8  }
0x11: {  	[smem:$0x3FB7] =	sst s9;
	s0 =	simm.s32 @!p0 $0x0  }
0x12: {  	s1 =	sld [smem:$0x3F9D];
	s0 =	simm.s32 @p0 $0x1  }
0x13: {  	[smem:$0x3FB8] =	sst s0;
	s0 =	simm.s32 @!p1 $0x0  }
0x14: {  	s2 =	sld [smem:$0x3F9C];
	s0 =	simm.s32 @p1 $0x1  }
0x15: {  	[smem:$0x3FB9] =	sst s0;
	s0 =	simm.s32 @!p2 $0x0  }
0x16: {  	s3 =	sld [smem:$0x3FDB];
	s0 =	simm.s32 @p2 $0x1  }
0x17: {  	s4 =	simm.s32 $0x1BF5;
	[smem:$0x3FBB] =	sst s0  }
0x18: {  	s0 =	sld [smem:$0x3F9E];
	_ =	swait.ge [sflag:s4], $0x0  }
0x19: {  	s7 =	sld [smem:$0x3F9F]  }
0x1a: {  	s8 =	sadd.s32 $0xFFFFE003, lr  }
0x1b: {  	s9 =	sadd.s32 $0xFFFFFEF7, lr;
	s5 =	simm.s32 $0xFFFFFFFF;
	p2 =	slt.u32 s8, $0xFFFFF086  }
0x1c: {  	p1 =	slt.u32 s9, $0xF7A;
	s5 =	simm.s32 @!p2 $0x0  }
0x1d: {  	s5 =	simm.s32 @p1 $0x1;
	p0 =	seq.s32 s7, s2  }
0x1e: {  	s7 =	smul.u32 @!p0 $0xF7A, s2;
	p2 =	seq.s32 @!p0 s5, $0x0  }
0x1f: {  	s9 =	smul.u32 $0xF7A, s1;
	s8 =	simm.s32 @!p0 $0x1BF5;
	p2 =	por !p2, p0  }
0x20: {  	[sflag:s8] =	ssyncset.s32 @!p0 $0xFFFFF086;
	s6 =	sadd.s32 @!p0 s3, s7;
	s7 =	simm.s32 @!p0 $0x108  }
0x21: {  	s3 =	sadd.s32 s3, s9;
	s6 =	sadd.s32 @!p0 $0x88, s6;
	s7 =	simm.s32 @p2 $0x1082  }
0x22: {  	[simem:s7], [sflag:s8] =	dma.local @!p0 [hbm:s6], $0xF7A  }
0x23: {  	s9 =	sor.u32 $0xD0000000, s2;
	s6 =	simm.s32 $0x108;
	_ =	swait.ge @!p0 [sflag:s8], $0x0  }
0x24: {  	s3 =	sadd.s32 $0x88, s3;
	s6 =	simm.s32 @!p1 $0x1082;
	[sflag:s4] =	ssyncset.s32 $0xFFFFF086  }
0x25: {  	[simem:s6], [sflag:s4] =	dma.local [hbm:s3], $0xF7A  }
0x26: {  	[smem:$0x3F9F] =	sst s1;
	(tag) =	ssettag s2;
	_ =	strace s9  }
0x27: {  	s1 =	sld [smem:$0x3FAF]  }
0x28: {  	s2 =	sld [smem:$0x3FB0]  }
0x29: {  	s4 =	sld [smem:$0x3FB2]  }
0x2a: {  	p0 =	seq.s32 s5, $0x0;
	s5 =	sld [smem:$0x3FB3]  }
0x2b: {  	s6 =	sld [smem:$0x3FB4]  }
0x2c: {  	s7 =	sld [smem:$0x3FB5]  }
0x2d: {  	s3 =	simm.s32 $0x108;
	s8 =	sld [smem:$0x3FB6]  }
0x2e: {  	s3 =	simm.s32 @!p0 $0x1082;
	s9 =	sld [smem:$0x3FB7]  }
0x2f: {  	lr =	sadd.s32 s0, s3;
	s0 =	sld [smem:$0x3FAE]  }
0x30: {  	s3 =	sld [smem:$0x3FB1]  }
0x31: {  	[smem:$0x3FBA] =	sst s10  }
0x32: {  	s10 =	sld [smem:$0x3FB8];
	_ =	sdelay $0x3  }
0x33: {  	p0 =	seq.s32 s10, $0x1;
	s10 =	sld [smem:$0x3FBA];
	_ =	sdelay $0x3  }
0x34: {  	[smem:$0x3FBA] =	sst s10  }
0x35: {  	s10 =	sld [smem:$0x3FB9];
	_ =	sdelay $0x3  }
0x36: {  	p1 =	seq.s32 s10, $0x1;
	s10 =	sld [smem:$0x3FBA];
	_ =	sdelay $0x3  }
0x37: {  	[smem:$0x3FBA] =	sst s10  }
0x38: {  	s10 =	sld [smem:$0x3FBB]  }
0x39: {  	_ = 	snop;
	(pc) =	sbr.ind lr, $3  }
0x3a: {  	_ = 	snop  }
0x3b: {  	_ = 	snop  }
0x3c: {  	p2 =	seq.s32 s10, $0x1;
	s10 =	sld [smem:$0x3FBA]  }
0x3d: {  	_ =	shalt  }
0x3e: {  	_ =	shalt  }
0x3f: {  	_ =	shalt  }
0x40: {  	_ =	shalt  }
0x41: {  	_ =	shalt  }
0x42: {  	_ =	shalt  }
0x43: {  	_ =	shalt  }
0x44: {  	_ =	shalt  }
0x45: {  	_ =	shalt  }
0x46: {  	_ =	shalt  }
0x47: {  	_ =	shalt  }
0x48: {  	_ =	shalt  }
0x49: {  	_ =	shalt  }
0x4a: {  	_ =	shalt  }
0x4b: {  	_ =	shalt  }
0x4c: {  	_ =	shalt  }
0x4d: {  	_ =	shalt  }
0x4e: {  	_ =	shalt  }
0x4f: {  	_ =	shalt  }
0x50: {  	_ =	shalt  }
0x51: {  	_ =	shalt  }
0x52: {  	_ =	shalt  }
0x53: {  	_ =	shalt  }
0x54: {  	_ =	shalt  }
0x55: {  	_ =	shalt  }
0x56: {  	_ =	shalt  }
0x57: {  	_ =	shalt  }
0x58: {  	_ =	shalt  }
0x59: {  	_ =	shalt  }
0x5a: {  	_ =	shalt  }
0x5b: {  	_ =	shalt  }
0x5c: {  	_ =	shalt  }
0x5d: {  	_ =	shalt  }
0x5e: {  	_ =	shalt  }
0x5f: {  	_ =	shalt  }
0x60: {  	_ =	shalt  }
0x61: {  	_ =	shalt  }
0x62: {  	_ =	shalt  }
0x63: {  	_ =	shalt  }
0x64: {  	_ =	shalt  }
0x65: {  	_ =	shalt  }
0x66: {  	_ =	shalt  }
0x67: {  	_ =	shalt  }
0x68: {  	_ =	shalt  }
0x69: {  	_ =	shalt  }
0x6a: {  	_ =	shalt  }
0x6b: {  	_ =	shalt  }
0x6c: {  	_ =	shalt  }
0x6d: {  	_ =	shalt  }
0x6e: {  	_ =	shalt  }
0x6f: {  	_ =	shalt  }
0x70: {  	_ =	shalt  }
0x71: {  	_ =	shalt  }
0x72: {  	_ =	shalt  }
0x73: {  	_ =	shalt  }
0x74: {  	_ =	shalt  }
0x75: {  	_ =	shalt  }
0x76: {  	_ =	shalt  }
0x77: {  	_ =	shalt  }
0x78: {  	_ =	shalt  }
0x79: {  	_ =	shalt  }
0x7a: {  	_ =	shalt  }
0x7b: {  	_ =	shalt  }
0x7c: {  	_ =	shalt  }
0x7d: {  	_ =	shalt  }
0x7e: {  	_ =	shalt  }
0x7f: {  	_ =	shalt  }
0x80: {  	_ =	shalt  }
0x81: {  	_ =	shalt  }
0x82: {  	_ =	shalt  }
0x83: {  	_ =	shalt  }
0x84: {  	_ =	shalt  }
0x85: {  	_ =	shalt  }
0x86: {  	_ =	shalt  }
0x87: {  	_ =	shalt  }
.Lfunc_end0:
.L_simem_size_0:
called_computation.1_lowered:
.L_overlay_start_0:
0x88: {  	s2 =	sld [smem:$0x3FD9]  }
0x89: {  	s3 =	sld [smem:$0x3FFE];
	_ =	sdelay $0x1  }
0x8a: {  	s1 =	srdreg.scid  }
0x8b: {  	s0 =	sand.u32 $0x1, s1  }
0x8c: {  	s17 =	sshll.u32 s0, $0xA;
	s2 =	sadd.s32 s3, s2  }
0x8d: {  	s2 =	sadd.s32 s2, s17  }
0x8e: {  	[smem:$0x3FC6] =	sst s2  }
0x8f: {  	_ = 	snop  }
0x90: {  	s2 =	sld [smem:$0x3FD0];
	(tm) =	ssettm $0x1  }
0x91: {  	s18 =	sld [smem:$0x3FFB];
	_ =	sdelay $0x3  }
0x92: {  	_ =	strace s18  }
0x93: {  	s3 =	sld [smem:$0x3FFC];
	_ =	sdelay $0x3  }
0x94: {  	_ =	strace s3  }
0x95: {  	s3 =	sld [smem:$0x3FFD];
	_ =	sdelay $0x3  }
0x96: {  	_ =	strace s3  }
0x97: {  	_ =	strace $0x8FFFFFFF  }
0x98: {  	s19 =	sld [smem:$0x3FDB];
	_ =	sdelay $0x1  }
0x99: {  	s4 =	simm.s32 $_scs_section_size  }
0x9a: {  	s5 =	simm.s32 $_size__tile_overlayer_lowered;
	s6 =	simm.s32 $_tile_overlayer_lowered  }
0x9b: {  	s22 =	simm.s32 $0x1BFF;
	s21 =	sshll.u32 s6, $0x1;
	s3 =	sadd.s32 s4, s19  }
0x9c: {  	s7 =	simm.s32 $0x0;
	s20 =	sshll.u32 s5, $0x1;
	s5 =	sadd.s32 s21, s3  }
0x9d: {  	[timem:s7], [sflag:s22] =	dma.local [hbm:s5], s20  }
0x9e: {  	_ =	swait.ge [sflag:s22], s20  }
0x9f: {  	s4 =	ssub.s32 $0x0, s20;
	[sflag:s22] =	ssyncset.done $0x0  }
0xa0: {  	[sflag:s22] =	ssyncadd.s32 s4;
	_ =	sdelay $0x1  }
0xa1: {  	s23 =	simm.s32 $0x1B8B  }
0xa2: {  	_ =	swait.ge [sflag:s23], $0x1  }
0xa3: {  	[sflag:s23] =	ssyncset.done $0x0  }
0xa4: {  	s25 =	simm.s32 $0x1B8E;
	s24 =	sld [smem:$0x3FFE];
	[sflag:s23] =	ssyncadd.s32 $0xFFFFFFFF  }
0xa5: {  	s26 =	simm.s32 $execute0_lowered;
	[smem:$0x3FD2] =	sst s25  }
0xa6: {  	s5 =	sshll.u32 s26, $0x1;
	_ =	strace $0x80000046;
	[dreg:$0x1] =	wrdreg $0xFFFFFFFF  }
0xa7: {  	s28 =	simm.s32 $_size_execute0_lowered;
	s3 =	sadd.s32 s3, s5;
	[dreg:$0x0] =	wrdreg $0x0  }
0xa8: {  	s5 =	sshll.u32 s28, $0x1;
	[dreg:$0x2] =	wrdreg s3  }
0xa9: {  	[dreg:$0x3] =	wrdreg s5  }
0xaa: {  	[dreg:$0x4] =	wrdreg $0xC0  }
0xab: {  	_ =	task [dreg:s7], $0x5FFFF  }
0xac: {  	[dreg:$0x1] =	wrdreg $0xFFFFFFFF  }
0xad: {  	[dreg:$0x0] =	wrdreg $0x60  }
0xae: {  	[dreg:$0x2] =	wrdreg s24  }
0xaf: {  	[dreg:$0x3] =	wrdreg s2  }
0xb0: {  	[dreg:$0x4] =	wrdreg $0x9  }
0xb1: {  	_ =	task.clear_ibuf [dreg:s7], $0x5FFFF;
	_ =	strace $0x90000046  }
0xb2: {  	s29 =	simm.s32 $0x9;
	_ =	strace $0x80000048  }
0xb3: {  	_ =	swait.ge [sflag:s29], $0x1  }
0xb4: {  	[sflag:s29] =	ssyncadd.s32 $0xFFFFFFFF  }
0xb5: {  	_ =	strace $0x90000048  }
0xb6: {  	_ =	sfence  }
0xb7: {  	s30 =	sld [smem:$0x0];
	_ =	sdelay $0x2  }
0xb8: {  	s31 =	sshll.u32 s1, $0xD;
	s1 =	sshrl.u32 s1, $0x2  }
0xb9: {  	s3 =	sand.u32 $0x4000, s31;
	s1 =	sadd.s32 s1, s30  }
0xba: {  	s0 =	sor.u32 s3, s0;
	s1 =	sshll.u32 s1, $0x11  }
0xbb: {  	s0 =	sor.u32 s1, s0  }
0xbc: {  	s0 =	sadd.s32 $0x8F2B, s0  }
0xbd: {  	[sflag:s0] =	ssyncadd.remote.s32 $0x1  }
0xbe: {  	_ =	sfence.sel $0xFFFF  }
0xbf: {  	[dreg:$0x0] =	wrdreg $0xFFFFFFFF;
	(pc) =	sbr.abs _section_cstart, $3  }
0xc0: {  	[dreg:$0x1] =	wrdreg $0xFFFFFFFF  }
0xc1: {  	_ =	task.clear_ibuf [dreg:s7], $0x2FFFF;
	_ =	strace $0x9FFFFFFF  }
0xc2: {  	(tm) =	ssettm $0x7FFFFFFF  }
0xc3: {  	_ =	shalt  }
tec
execute0_lowered:
.L_overlay_start_1:
0x0: {  	(tag) =	ssettag $0x1  }
0x1: {  	s0 =	srdreg.scid;
	s4 =	rddreg [dreg:$0x0]  }
0x2: {  	s1 =	stileid.u32;
	s2 =	rddreg [dreg:$0x1]  }
0x3: {  	s3 =	simm.s32 $0x0;
	s12 =	simm.s32 $0x80;
	s13 =	simm.s32 $0x6400  }
0x4: {  	s14 =	simm.s32 $0x8400;
	s16 =	simm.s32 $0xA400;
	s18 =	simm.s32 $0xC400  }
0x5: {  	s19 =	simm.s32 $0x1;
	s20 =	simm.s32 $0xE400;
	s21 =	simm.s32 $0x2  }
0x6: {  	s22 =	simm.s32 $0x6;
	s23 =	simm.s32 $0x10400;
	s24 =	simm.s32 $0x3  }
0x7: {  	s25 =	simm.s32 $0x7;
	s26 =	simm.s32 $0x12400;
	s28 =	simm.s32 $0x4  }
0x8: {  	s29 =	simm.s32 $0x8;
	s0 =	sand.u32 $0x1, s0;
	s1 =	sshll.u32 s1, $0x1  }
0x9: {  	s30 =	simm.s32 $0x14400;
	s1 =	sor.u32 s0, s1;
	s0 =	ssub.s32 $0x2, s0  }
0xa: {  	[smem:$0x7FF] =	sst s3;
	s6 =	smul.u32 $0x6400, s1;
	s8 =	sshrl.u32 s0, $0x1  }
.Ltmp0:
0xb: {  	_ =	strace $0x80000047;
	s0 =	ssub.s32 s0, s8;
	(pc) =	sbr.rel .LBB2_1-.Ltmp0, $4  }
0xc: {  	s5 =	sshrl.u32 s6, $0x3;
	s9 =	sor.u32 $0x180, s6;
	s0 =	smax.u32 s0, $0x1  }
0xd: {  	s7 =	sadd.s32 s5, s4;
	s4 =	sadd.s32 $0xF42E00, s4;
	s5 =	smul.u32 $0x190000, s1  }
0xe: {  	[dreg:$0x4] =	wrdreg s0;
	s1 =	simm.s32 $0x0;
	s31 =	sadd.s32 $0xA00, s7  }
0xf: {  	s7 =	sor.u32 $0x80, s6;
	[dreg:$0x3] =	wrdreg s31;
	s8 =	sor.u32 $0x4000, s5  }
.LBB2_24:
0x10: {  	s0 =	simm.s32 $0x5  }
0x11: {  	_ =	swait.ge [sflag:s0], $0x2000  }
0x12: {  	[sflag:s0] =	ssyncset.done $0x0  }
0x13: {  	[sflag:s0] =	ssyncadd.s32 $0xFFFFE000  }
0x14: {  	_ =	swait.ge [sflag:s22], $0x2000  }
0x15: {  	[sflag:s22] =	ssyncset.done $0x0  }
0x16: {  	[sflag:s22] =	ssyncadd.s32 $0xFFFFE000  }
0x17: {  	_ =	swait.ge [sflag:s25], $0x2000  }
0x18: {  	[sflag:s25] =	ssyncset.done $0x0  }
0x19: {  	[sflag:s25] =	ssyncadd.s32 $0xFFFFE000  }
0x1a: {  	_ =	swait.ge [sflag:s29], $0x2000  }
0x1b: {  	s1 =	sadd.s32 $0x1, s1;
	s31 =	rddreg [dreg:$0x4]  }
0x1c: {  	p0 =	sne.s32 s1, s31  }
.Ltmp1:
0x1d: {  	_ = 	snop;
	(pc) =	sbr.rel @!p0 .LBB2_25-.Ltmp1, $3  }
0x1e: {  	_ =	sdelay $0x1  }
0x1f: {  	[sflag:s29] =	ssyncset.done $0x0  }
0x20: {  	[sflag:s29] =	ssyncadd.s32 $0xFFFFE000  }
.LBB2_1:
0x21: {  	s0 =	rddreg [dreg:$0x3];
	s15 =	simm.s32 $0x9  }
0x22: {  	[tilespmem:s3], [sflag:$0x9] =	stream.linear.gather [hbm4b:s0+s3], $0x6400, $0x38;
	[tilespmem:$0x16400] =	vst v63  }
0x23: {  	_ =	swait.ge [sflag:s15], $0x6400  }
0x24: {  	[sflag:s15] =	ssyncset.done $0x0  }
0x25: {  	[sflag:s15] =	ssyncadd.s32 $0xFFFF9C00  }
0x26: {  	[tilespmem:s13], [sflag:$0x1] =	stream.indirect.gather [hbm4b:s4+s12], $0x40, s3, s12, $0xb8;
	[tilespmem:$0x16400] =	vst v63  }
0x27: {  	_ = 	snop  }
0x28: {  	[tilespmem:s14], [sflag:$0x2] =	stream.indirect.gather [hbm4b:s4+s12], $0x40, s12, s12, $0xb8;
	[tilespmem:$0x16400] =	vst v63  }
0x29: {  	s17 =	simm.s32 $0x100  }
0x2a: {  	[tilespmem:s16], [sflag:$0x3] =	stream.indirect.gather [hbm4b:s4+s12], $0x40, s17, s12, $0xb8;
	[tilespmem:$0x16400] =	vst v63  }
0x2b: {  	s31 =	simm.s32 $0x180;
	s0 =	simm.s32 $0x0  }
0x2c: {  	[tilespmem:s18], [sflag:$0x4] =	stream.indirect.gather [hbm4b:s4+s12], $0x40, s31, s12, $0xb8;
	[tilespmem:$0x16400] =	vst v63  }
.LBB2_2:
0x2d: {  	_ =	swait.ge [sflag:s19], $0x2000  }
0x2e: {  	p0 =	seq.s32 s0, $0x0;
	[sflag:s19] =	ssyncset.done $0x0  }
0x2f: {  	s6 =	simm.s32 @!p0 $0x5;
	[sflag:s19] =	ssyncadd.s32 $0xFFFFE000  }
0x30: {  	_ =	swait.ge @!p0 [sflag:s6], $0x2000  }
0x31: {  	[sflag:s6] =	ssyncset.done @!p0 $0x0  }
0x32: {  	[sflag:s6] =	ssyncadd.s32 @!p0 $0xFFFFE000;
	s6 =	simm.s32 $0x0  }
0x33: {  	v1 =	vld [tilespmem:s6+$0x6430]  }
0x34: {  	v2 =	vld [tilespmem:s6+$0x6400]  }
0x35: {  	v3 =	vld [tilespmem:s6+$0x6410]  }
0x36: {  	v0 =	vld [tilespmem:s6+$0x6420]  }
0x37: {  	s15 =	sshll.u32 s0, $0xB;
	s10 =	simm.s32 $0x100  }
.LBB2_3:
0x38: {  	s11 =	sshra.s32 s10, $0x2;
	p1 =	sne.s32 s10, $0x7F00;
	s10 =	sadd.s32 $0x100, s10;
	v4 =	vmul.f32 $8.000000000e+00, v1  }
.Ltmp2:
0x39: {  	v1 =	vld [tilespmem:s11+$0x6430];
	v5 =	vmul.f32 $8.000000000e+00, v2;
	(pc) =	sbr.rel @p1 .LBB2_3-.Ltmp2, $4  }
0x3a: {  	v2 =	vld [tilespmem:s11+$0x6400];
	v6 =	vmul.f32 $8.000000000e+00, v3;
	[tilespmem:s6+$0xE430] =	vst v4  }
0x3b: {  	v3 =	vld [tilespmem:s11+$0x6410];
	[tilespmem:s6+$0xE400] =	vst v5;
	v4 =	vmul.f32 $8.000000000e+00, v0  }
0x3c: {  	v0 =	vld [tilespmem:s11+$0x6420];
	[tilespmem:s6+$0xE410] =	vst v6  }
0x3d: {  	[tilespmem:s6+$0xE420] =	vst v4;
	s6 =	smov.u32 s11  }
0x3e: {  	v1 =	vmul.f32 $8.000000000e+00, v1  }
0x3f: {  	p1 =	sne.s32 s0, $0x31;
	v2 =	vmul.f32 $8.000000000e+00, v2  }
.Ltmp3:
0x40: {  	s17 =	sshll.u32 s0, $0xF;
	v3 =	vmul.f32 $8.000000000e+00, v3;
	[tilespmem:s6+$0xE430] =	vst v1;
	(pc) =	sbr.rel @p1 .LBB2_6-.Ltmp3, $4  }
0x41: {  	s10 =	sadd.s32 s5, s17;
	[tilespmem:s6+$0xE400] =	vst v2;
	v0 =	vmul.f32 $8.000000000e+00, v0  }
0x42: {  	s10 =	sshrl.u32 s10, $0x3;
	[tilespmem:s6+$0xE410] =	vst v3  }
0x43: {  	s31 =	sadd.s32 s2, s10;
	[tilespmem:s6+$0xE420] =	vst v0  }
0x44: {  	[hbm4b:s31+s3] =	stream.linear.scatter [tilespmem:s20], [sflag:$0x5], $0x2000, $0x38;
	[tilespmem:$0x16400] =	vst v63  }
.Ltmp4:
0x45: {  	(pc) =	sbr.rel .LBB2_7-.Ltmp4, $4  }
0x46: {  	_ = 	snop  }
0x47: {  	_ =	swait.ge [sflag:s21], $0x2000  }
0x48: {  	[sflag:s21] =	ssyncset.done $0x0  }
0x49: {  	[sflag:s21] =	ssyncadd.s32 $0xFFFFE000  }
.LBB2_6:
0x4a: {  	s6 =	sshrl.u32 s15, $0x2  }
.Ltmp5:
0x4b: {  	s6 =	sadd.s32 $0x200, s6;
	(pc) =	sbr.rel @p0 .LBB2_8-.Ltmp5, $4  }
0x4c: {  	[tilespmem:s13], [sflag:$0x1] =	stream.indirect.gather [hbm4b:s4+s12], $0x40, s6, s12, $0xb8;
	[tilespmem:$0x16400] =	vst v63  }
0x4d: {  	_ =	swait.ge [sflag:s21], $0x2000  }
0x4e: {  	[sflag:s21] =	ssyncset.done $0x0  }
0x4f: {  	[sflag:s21] =	ssyncadd.s32 $0xFFFFE000  }
.LBB2_7:
0x50: {  	_ =	swait.ge [sflag:s22], $0x2000  }
0x51: {  	[sflag:s22] =	ssyncset.done $0x0  }
0x52: {  	[sflag:s22] =	ssyncadd.s32 $0xFFFFE000  }
.LBB2_8:
0x53: {  	s10 =	simm.s32 $0x0  }
0x54: {  	v1 =	vld [tilespmem:s10+$0x8430]  }
0x55: {  	v2 =	vld [tilespmem:s10+$0x8400]  }
0x56: {  	v3 =	vld [tilespmem:s10+$0x8410]  }
0x57: {  	v0 =	vld [tilespmem:s10+$0x8420]  }
0x58: {  	s6 =	simm.s32 $0x100  }
.LBB2_9:
0x59: {  	s11 =	sshra.s32 s6, $0x2;
	p2 =	sne.s32 s6, $0x7F00;
	s6 =	sadd.s32 $0x100, s6;
	v4 =	vmul.f32 $8.000000000e+00, v1  }
.Ltmp6:
0x5a: {  	v1 =	vld [tilespmem:s11+$0x8430];
	v5 =	vmul.f32 $8.000000000e+00, v2;
	(pc) =	sbr.rel @p2 .LBB2_9-.Ltmp6, $4  }
0x5b: {  	v2 =	vld [tilespmem:s11+$0x8400];
	v6 =	vmul.f32 $8.000000000e+00, v3;
	[tilespmem:s10+$0x10430] =	vst v4  }
0x5c: {  	v3 =	vld [tilespmem:s11+$0x8410];
	[tilespmem:s10+$0x10400] =	vst v5;
	v4 =	vmul.f32 $8.000000000e+00, v0  }
0x5d: {  	v0 =	vld [tilespmem:s11+$0x8420];
	[tilespmem:s10+$0x10410] =	vst v6  }
0x5e: {  	[tilespmem:s10+$0x10420] =	vst v4;
	s10 =	smov.u32 s11  }
0x5f: {  	v1 =	vmul.f32 $8.000000000e+00, v1  }
0x60: {  	s6 =	sshll.u32 s0, $0x9;
	v2 =	vmul.f32 $8.000000000e+00, v2  }
.Ltmp7:
0x61: {  	s11 =	sadd.s32 s6, s7;
	v3 =	vmul.f32 $8.000000000e+00, v3;
	[tilespmem:s10+$0x10430] =	vst v1;
	(pc) =	sbr.rel @p1 .LBB2_12-.Ltmp7, $4  }
0x62: {  	s11 =	sshll.u32 s11, $0x3;
	[tilespmem:s10+$0x10400] =	vst v2;
	v0 =	vmul.f32 $8.000000000e+00, v0  }
0x63: {  	s11 =	sand.u32 $0x1FFFF400, s11;
	[tilespmem:s10+$0x10410] =	vst v3  }
0x64: {  	s31 =	sadd.s32 s2, s11;
	[tilespmem:s10+$0x10420] =	vst v0  }
0x65: {  	[hbm4b:s31+s3] =	stream.linear.scatter [tilespmem:s23], [sflag:$0x6], $0x2000, $0x38;
	[tilespmem:$0x16400] =	vst v63  }
.Ltmp8:
0x66: {  	(pc) =	sbr.rel .LBB2_13-.Ltmp8, $4  }
0x67: {  	_ = 	snop  }
0x68: {  	_ =	swait.ge [sflag:s24], $0x2000  }
0x69: {  	[sflag:s24] =	ssyncset.done $0x0  }
0x6a: {  	[sflag:s24] =	ssyncadd.s32 $0xFFFFE000  }
.LBB2_12:
0x6b: {  	s10 =	sshrl.u32 s15, $0x2  }
.Ltmp9:
0x6c: {  	s10 =	sadd.s32 $0x280, s10;
	(pc) =	sbr.rel @p0 .LBB2_14-.Ltmp9, $4  }
0x6d: {  	[tilespmem:s14], [sflag:$0x2] =	stream.indirect.gather [hbm4b:s4+s12], $0x40, s10, s12, $0xb8;
	[tilespmem:$0x16400] =	vst v63  }
0x6e: {  	_ =	swait.ge [sflag:s24], $0x2000  }
0x6f: {  	[sflag:s24] =	ssyncset.done $0x0  }
0x70: {  	[sflag:s24] =	ssyncadd.s32 $0xFFFFE000  }
.LBB2_13:
0x71: {  	_ =	swait.ge [sflag:s25], $0x2000  }
0x72: {  	[sflag:s25] =	ssyncset.done $0x0  }
0x73: {  	[sflag:s25] =	ssyncadd.s32 $0xFFFFE000  }
.LBB2_14:
0x74: {  	s10 =	simm.s32 $0x0  }
0x75: {  	v1 =	vld [tilespmem:s10+$0xA430]  }
0x76: {  	v2 =	vld [tilespmem:s10+$0xA400]  }
0x77: {  	v3 =	vld [tilespmem:s10+$0xA410]  }
0x78: {  	v0 =	vld [tilespmem:s10+$0xA420]  }
0x79: {  	s11 =	simm.s32 $0x100  }
.LBB2_15:
0x7a: {  	s31 =	sshra.s32 s11, $0x2;
	p2 =	sne.s32 s11, $0x7F00;
	s11 =	sadd.s32 $0x100, s11;
	v4 =	vmul.f32 $8.000000000e+00, v1  }
.Ltmp10:
0x7b: {  	v1 =	vld [tilespmem:s31+$0xA430];
	v5 =	vmul.f32 $8.000000000e+00, v2;
	(pc) =	sbr.rel @p2 .LBB2_15-.Ltmp10, $4  }
0x7c: {  	v2 =	vld [tilespmem:s31+$0xA400];
	v6 =	vmul.f32 $8.000000000e+00, v3;
	[tilespmem:s10+$0x12430] =	vst v4  }
0x7d: {  	v3 =	vld [tilespmem:s31+$0xA410];
	[tilespmem:s10+$0x12400] =	vst v5;
	v4 =	vmul.f32 $8.000000000e+00, v0  }
0x7e: {  	v0 =	vld [tilespmem:s31+$0xA420];
	[tilespmem:s10+$0x12410] =	vst v6  }
0x7f: {  	[tilespmem:s10+$0x12420] =	vst v4;
	s10 =	smov.u32 s31  }
0x80: {  	v1 =	vmul.f32 $8.000000000e+00, v1  }
0x81: {  	v2 =	vmul.f32 $8.000000000e+00, v2  }
.Ltmp11:
0x82: {  	v3 =	vmul.f32 $8.000000000e+00, v3;
	[tilespmem:s10+$0x12430] =	vst v1;
	(pc) =	sbr.rel @p1 .LBB2_18-.Ltmp11, $4  }
0x83: {  	s11 =	sadd.s32 s17, s8;
	[tilespmem:s10+$0x12400] =	vst v2;
	v0 =	vmul.f32 $8.000000000e+00, v0  }
0x84: {  	s11 =	sshrl.u32 s11, $0x3;
	[tilespmem:s10+$0x12410] =	vst v3  }
0x85: {  	s31 =	sadd.s32 s2, s11;
	[tilespmem:s10+$0x12420] =	vst v0  }
0x86: {  	[hbm4b:s31+s3] =	stream.linear.scatter [tilespmem:s26], [sflag:$0x7], $0x2000, $0x38;
	[tilespmem:$0x16400] =	vst v63  }
.Ltmp12:
0x87: {  	(pc) =	sbr.rel .LBB2_19-.Ltmp12, $4  }
0x88: {  	_ = 	snop  }
0x89: {  	_ =	swait.ge [sflag:s28], $0x2000  }
0x8a: {  	[sflag:s28] =	ssyncset.done $0x0  }
0x8b: {  	[sflag:s28] =	ssyncadd.s32 $0xFFFFE000  }
.LBB2_18:
0x8c: {  	s10 =	sshrl.u32 s15, $0x2  }
.Ltmp13:
0x8d: {  	s10 =	sadd.s32 $0x300, s10;
	(pc) =	sbr.rel @p0 .LBB2_20-.Ltmp13, $4  }
0x8e: {  	[tilespmem:s16], [sflag:$0x3] =	stream.indirect.gather [hbm4b:s4+s12], $0x40, s10, s12, $0xb8;
	[tilespmem:$0x16400] =	vst v63  }
0x8f: {  	_ =	swait.ge [sflag:s28], $0x2000  }
0x90: {  	[sflag:s28] =	ssyncset.done $0x0  }
0x91: {  	[sflag:s28] =	ssyncadd.s32 $0xFFFFE000  }
.LBB2_19:
0x92: {  	_ =	swait.ge [sflag:s29], $0x2000  }
0x93: {  	[sflag:s29] =	ssyncset.done $0x0  }
0x94: {  	[sflag:s29] =	ssyncadd.s32 $0xFFFFE000  }
.LBB2_20:
0x95: {  	s10 =	simm.s32 $0x0  }
0x96: {  	v1 =	vld [tilespmem:s10+$0xC430]  }
0x97: {  	v2 =	vld [tilespmem:s10+$0xC400]  }
0x98: {  	v3 =	vld [tilespmem:s10+$0xC410]  }
0x99: {  	v0 =	vld [tilespmem:s10+$0xC420]  }
0x9a: {  	s11 =	simm.s32 $0x100  }
.LBB2_21:
0x9b: {  	s17 =	sshra.s32 s11, $0x2;
	p0 =	sne.s32 s11, $0x7F00;
	s11 =	sadd.s32 $0x100, s11;
	v4 =	vmul.f32 $8.000000000e+00, v1  }
.Ltmp14:
0x9c: {  	v1 =	vld [tilespmem:s17+$0xC430];
	v5 =	vmul.f32 $8.000000000e+00, v2;
	(pc) =	sbr.rel @p0 .LBB2_21-.Ltmp14, $4  }
0x9d: {  	v2 =	vld [tilespmem:s17+$0xC400];
	v6 =	vmul.f32 $8.000000000e+00, v3;
	[tilespmem:s10+$0x14430] =	vst v4  }
0x9e: {  	v3 =	vld [tilespmem:s17+$0xC410];
	[tilespmem:s10+$0x14400] =	vst v5;
	v4 =	vmul.f32 $8.000000000e+00, v0  }
0x9f: {  	v0 =	vld [tilespmem:s17+$0xC420];
	[tilespmem:s10+$0x14410] =	vst v6  }
0xa0: {  	[tilespmem:s10+$0x14420] =	vst v4;
	s10 =	smov.u32 s17  }
0xa1: {  	v1 =	vmul.f32 $8.000000000e+00, v1  }
0xa2: {  	p0 =	seq.s32 s0, $0x31;
	v2 =	vmul.f32 $8.000000000e+00, v2  }
.Ltmp15:
0xa3: {  	s6 =	sadd.s32 s6, s9;
	v3 =	vmul.f32 $8.000000000e+00, v3;
	[tilespmem:s10+$0x14430] =	vst v1;
	(pc) =	sbr.rel @p0 .LBB2_24-.Ltmp15, $4  }
0xa4: {  	s6 =	sshll.u32 s6, $0x3;
	[tilespmem:s10+$0x14400] =	vst v2;
	v0 =	vmul.f32 $8.000000000e+00, v0  }
0xa5: {  	s6 =	sand.u32 $0x1FFFFC00, s6;
	[tilespmem:s10+$0x14410] =	vst v3  }
0xa6: {  	s6 =	sadd.s32 s2, s6;
	[tilespmem:s10+$0x14420] =	vst v0  }
0xa7: {  	[hbm4b:s6+s3] =	stream.linear.scatter [tilespmem:s30], [sflag:$0x8], $0x2000, $0x38;
	[tilespmem:$0x16400] =	vst v63  }
.Ltmp16:
0xa8: {  	(pc) =	sbr.rel .LBB2_2-.Ltmp16, $4  }
0xa9: {  	_ = 	snop  }
0xaa: {  	s6 =	sshrl.u32 s15, $0x2  }
0xab: {  	s0 =	sadd.s32 $0x1, s0;
	s6 =	sadd.s32 $0x380, s6  }
0xac: {  	[tilespmem:s18], [sflag:$0x4] =	stream.indirect.gather [hbm4b:s4+s12], $0x40, s6, s12, $0xb8;
	[tilespmem:$0x16400] =	vst v63  }
.LBB2_25:
0xad: {  	_ =	sfence.sel $0x180000  }
0xae: {  	[bflag:$0x0] =	sbarrier.arrive $0xFFFF  }
0xaf: {  	_ =	strace $0x90000047  }
0xb0: {  	s0 =	stileid.u32;
	[bflag:$0x2] =	sbarrier.arrive $0xFFFF  }
0xb1: {  	p0 =	sne.s32 s0, $0x0;
	s0 =	rddreg [dreg:$0x2]  }
0xb2: {  	s0 =	sadd.s32 @!p0 $0x100000, s0  }
0xb3: {  	[sflag:s0] =	ssyncadd.tile.s32 @!p0 $0x1;
	_ =	shalt  }
.Lfunc_end2:
_tile_overlayer_lowered:
.L_overlay_start_2:
0xb4: {  	(tag) =	ssettag $0x2  }
0xb5: {  	s0 =	rddreg [dreg:$0x0];
	s2 =	stileid.u32  }
0xb6: {  	s1 =	rddreg [dreg:$0x1];
	p0 =	sne.s32 s2, $0x0  }
0xb7: {  	s3 =	rddreg [dreg:$0x2];
	[bflag:$0x3] =	sbarrier.arrive $0xFFFF;
	s2 =	simm.s32 @!p0 $0x1C09  }
0xb8: {  	[timem:s3], [sflag:s2] =	dma.local @!p0 [hbm:s0], s1  }
0xb9: {  	s0 =	simm.s32 @!p0 $0x9  }
0xba: {  	_ =	swait.ge @!p0 [sflag:s0], s1  }
0xbb: {  	s1 =	ssub.s32 @!p0 $0x0, s1;
	[sflag:s0] =	ssyncset.done @!p0 $0x0  }
0xbc: {  	[sflag:s0] =	ssyncadd.s32 @!p0 s1  }
0xbd: {  	[bflag:$0x3] =	sbarrier.arrive $0xFFFF  }
0xbe: {  	_ =	shalt  }

// kernel: sparse-core-data-format-call.cloned.1.call-start
scs
called_computation_lowered:
.L_overlay_start_0:
0x0: {  	s2 =	sld [smem:$0x3FD9]  }
0x1: {  	s3 =	sld [smem:$0x3FFE];
	_ =	sdelay $0x1  }
0x2: {  	s1 =	srdreg.scid  }
0x3: {  	s0 =	sand.u32 $0x1, s1  }
0x4: {  	s18 =	sshll.u32 s0, $0xA;
	s2 =	sadd.s32 s3, s2  }
0x5: {  	s2 =	sadd.s32 s2, s18  }
0x6: {  	[smem:$0x3FC6] =	sst s2  }
0x7: {  	_ = 	snop  }
0x8: {  	s2 =	sld [smem:$0x3FD0];
	(tm) =	ssettm $0x1  }
0x9: {  	s19 =	sld [smem:$0x3FFB];
	_ =	sdelay $0x3  }
0xa: {  	_ =	strace s19  }
0xb: {  	s3 =	sld [smem:$0x3FFC];
	_ =	sdelay $0x3  }
0xc: {  	_ =	strace s3  }
0xd: {  	s3 =	sld [smem:$0x3FFD];
	_ =	sdelay $0x3  }
0xe: {  	_ =	strace s3  }
0xf: {  	_ =	strace $0x8FFFFFFF  }
0x10: {  	s20 =	sld [smem:$0x3FDB];
	_ =	sdelay $0x1  }
0x11: {  	s4 =	simm.s32 $_scs_section_size  }
0x12: {  	s5 =	simm.s32 $_size__tile_overlayer_lowered;
	s6 =	simm.s32 $_tile_overlayer_lowered  }
0x13: {  	s23 =	simm.s32 $0x1BFF;
	s22 =	sshll.u32 s6, $0x1;
	s3 =	sadd.s32 s4, s20  }
0x14: {  	s7 =	simm.s32 $0x0;
	s21 =	sshll.u32 s5, $0x1;
	s5 =	sadd.s32 s22, s3  }
0x15: {  	[timem:s7], [sflag:s23] =	dma.local [hbm:s5], s21  }
0x16: {  	_ =	swait.ge [sflag:s23], s21  }
0x17: {  	s4 =	ssub.s32 $0x0, s21;
	[sflag:s23] =	ssyncset.done $0x0  }
0x18: {  	[sflag:s23] =	ssyncadd.s32 s4;
	_ =	sdelay $0x1  }
0x19: {  	s24 =	simm.s32 $0x1B8B  }
0x1a: {  	_ =	swait.ge [sflag:s24], $0x1  }
0x1b: {  	[sflag:s24] =	ssyncset.done $0x0  }
0x1c: {  	s26 =	simm.s32 $0x1B8E;
	s25 =	sld [smem:$0x3FFE];
	[sflag:s24] =	ssyncadd.s32 $0xFFFFFFFF  }
0x1d: {  	s27 =	simm.s32 $execute0_lowered;
	[smem:$0x3FD2] =	sst s26  }
0x1e: {  	s5 =	sshll.u32 s27, $0x1;
	_ =	strace $0x80000049;
	[dreg:$0x1] =	wrdreg $0xFFFFFFFF  }
0x1f: {  	s28 =	simm.s32 $_size_execute0_lowered;
	s3 =	sadd.s32 s3, s5;
	[dreg:$0x0] =	wrdreg $0x0  }
0x20: {  	s5 =	sshll.u32 s28, $0x1;
	[dreg:$0x2] =	wrdreg s3  }
0x21: {  	[dreg:$0x3] =	wrdreg s5  }
0x22: {  	[dreg:$0x4] =	wrdreg $0xC0  }
0x23: {  	_ =	task [dreg:s7], $0x5FFFF  }
0x24: {  	[dreg:$0x1] =	wrdreg $0xFFFFFFFF  }
0x25: {  	[dreg:$0x0] =	wrdreg $0x60  }
0x26: {  	[dreg:$0x2] =	wrdreg s25  }
0x27: {  	[dreg:$0x3] =	wrdreg s2  }
0x28: {  	[dreg:$0x4] =	wrdreg $0x9  }
0x29: {  	_ =	task.clear_ibuf [dreg:s7], $0x5FFFF;
	_ =	strace $0x90000049  }
0x2a: {  	s29 =	simm.s32 $0x9;
	_ =	strace $0x8000004B  }
0x2b: {  	_ =	swait.ge [sflag:s29], $0x1  }
0x2c: {  	[sflag:s29] =	ssyncadd.s32 $0xFFFFFFFF  }
0x2d: {  	_ =	strace $0x9000004B  }
0x2e: {  	_ =	sfence  }
0x2f: {  	s30 =	sld [smem:$0x0];
	_ =	sdelay $0x2  }
0x30: {  	s31 =	sshll.u32 s1, $0xD;
	s1 =	sshrl.u32 s1, $0x2  }
0x31: {  	s3 =	sand.u32 $0x4000, s31;
	s1 =	sadd.s32 s1, s30  }
0x32: {  	s0 =	sor.u32 s3, s0;
	s1 =	sshll.u32 s1, $0x11  }
0x33: {  	s0 =	sor.u32 s1, s0  }
0x34: {  	s0 =	sadd.s32 $0x8F2B, s0  }
0x35: {  	[sflag:s0] =	ssyncadd.remote.s32 $0x1  }
0x36: {  	_ =	sfence.sel $0xFFFF  }
0x37: {  	[dreg:$0x0] =	wrdreg $0xFFFFFFFF;
	(pc) =	sbr.abs _section_cstart, $3  }
0x38: {  	[dreg:$0x1] =	wrdreg $0xFFFFFFFF  }
0x39: {  	_ =	task.clear_ibuf [dreg:s7], $0x2FFFF;
	_ =	strace $0x9FFFFFFF  }
0x3a: {  	(tm) =	ssettm $0x7FFFFFFF  }
0x3b: {  	_ =	shalt  }
tec
execute0_lowered:
.L_overlay_start_1:
0x0: {  	(tag) =	ssettag $0x1  }
0x1: {  	s0 =	srdreg.scid  }
0x2: {  	s1 =	sshll.u32 s0, $0x4  }
0x3: {  	s0 =	stileid.u32;
	s1 =	sand.u32 $0x10, s1  }
0x4: {  	s1 =	sor.u32 s0, s1  }
0x5: {  	s6 =	rddreg [dreg:$0x0];
	s4 =	simm.s32 $0x1;
	s2 =	sshll.u32 s1, $0x7  }
0x6: {  	s7 =	simm.s32 $0x2;
	s12 =	simm.s32 $0x0;
	s1 =	ssub.s32 $0x1000, s2  }
0x7: {  	s8 =	simm.s32 $0x8000;
	s13 =	simm.s32 $0x0;
	s3 =	sand.u32 $0xF80, s1  }
0x8: {  	s9 =	simm.s32 $0x0;
	s5 =	sshrl.u32 s1, $0xC;
	p0 =	sne.s32 s3, $0x0  }
.Ltmp0:
0x9: {  	s1 =	rddreg [dreg:$0x2];
	s4 =	simm.s32 @!p0 $0x0;
	(pc) =	sbr.rel .LBB1_1-.Ltmp0, $4  }
0xa: {  	s11 =	simm.s32 $0x0;
	s3 =	rddreg [dreg:$0x1];
	s5 =	sadd.s32 s4, s5  }
0xb: {  	_ =	strace $0x8000004A;
	s4 =	simm.s32 $0x1;
	s5 =	smul.u32 $0xC8, s5  }
0xc: {  	s6 =	sadd.s32 $0xA00, s6;
	s10 =	smov.u32 s2;
	[sflag:s4] =	ssyncpa.u1 $0x0  }
0xd: {  	p0 =	por $0x0, $0x0;
	[sflag:s7] =	ssyncpa.u1 $0x0;
	s7 =	sor.u32 $0x1, s5  }
.LBB1_4:
0xe: {  	s16 =	sshll.u32 s13, $0x3;
	s17 =	sand.u32 $0x78, s13  }
0xf: {  	s30 =	sand.u32 $0x7E00, s13;
	s12 =	sshll.u32 s12, $0xF;
	s16 =	sand.u32 $0xC00, s16  }
0x10: {  	[tilespmem:s15+$0x810 ss:$0x81] =	vst.msk $0xffff, v2;
	s31 =	sand.u32 $0x7, s13;
	s16 =	sor.u32 s17, s16;
	s17 =	sadd.s32 s3, s30  }
0x11: {  	[tilespmem:s15+$0x1020 ss:$0x81] =	vst.msk $0xffff, v0;
	s13 =	sshll.u32 s31, $0x12;
	s12 =	sadd.s32 s12, s17;
	s16 =	sshrl.u32 s16, $0x3  }
0x12: {  	[tilespmem:s15+$0x0 ss:$0x81] =	vst.msk $0xffff, v1;
	s13 =	sor.u32 $0x400, s13;
	s12 =	sadd.s32 s16, s12  }
0x13: {  	[hbm4b:s12+s13] =	stream.strided.scatter [tilespmem:s14], [sflag:$0x2], $0x2000, s8, s13, $0x20;
	[tilespmem:$0x8080] =	vst v63  }
.LBB1_5:
0x14: {  	s14 =	sadd.s32 $0x1, s9  }
0x15: {  	s12 =	sadd.s32 $0x1000, s10;
	s16 =	smov.u32 s10;
	p2 =	sgt.s32 s14, $0xC7  }
0x16: {  	s16 =	smov.u32 @p2 s12  }
0x17: {  	s14 =	simm.s32 @p2 $0x0;
	p2 =	sgt.s32 s16, $0xFFF  }
0x18: {  	s16 =	smov.u32 @p2 s2;
	p2 =	sne.s32 s11, s7  }
.Ltmp1:
0x19: {  	p1 =	slt.u32 s11, $0x2;
	(pc) =	sbr.rel @!p2 .LBB1_6-.Ltmp1, $4  }
0x1a: {  	s15 =	simm.s32 @!p1 $0x2  }
0x1b: {  	s13 =	smov.u32 s10;
	p0 =	por !p0, !p0;
	_ =	swait.ge @!p1 [sflag:s15], $0x2000  }
0x1c: {  	s12 =	smov.u32 s9;
	[sflag:s15] =	ssyncset.done @!p1 $0x0;
	s9 =	smov.u32 s14  }
0x1d: {  	s11 =	sadd.s32 $0x1, s11;
	[sflag:s15] =	ssyncadd.s32 @!p1 $0xFFFFE000;
	s10 =	smov.u32 s16  }
.LBB1_1:
0x1e: {  	p1 =	sge.u32 s11, s5  }
0x1f: {  	s14 =	sand.u32 @!p1 $0x1FFFFFF, s9  }
0x20: {  	s15 =	smulhi.u32 @!p1 $0x147AE15, s14;
	_ =	sdelay $0x1  }
0x21: {  	s15 =	smul.u32 @!p1 $0xC8, s15  }
0x22: {  	s16 =	sxor.u32 @!p1 $0xFFFFFFFF, s11;
	s17 =	smul.u32 @!p1 $0xC80, s10  }
0x23: {  	s31 =	sadd.s32 $0xFFFFFFFF, s11;
	s16 =	sshll.u32 @!p1 s16, $0xD;
	s14 =	ssub.s32 @!p1 s14, s15  }
0x24: {  	s15 =	sand.u32 @!p1 $0x2000, s16;
	s16 =	sadd.s32 @!p1 s6, s17;
	s14 =	sshll.u32 @!p1 s14, $0x4  }
0x25: {  	s17 =	simm.s32 @!p1 $0x6400;
	s14 =	sadd.s32 @!p1 s14, s16;
	s16 =	simm.s32 @!p1 $0x40  }
0x26: {  	[tilespmem:s15], [sflag:$0x1] =	stream.strided.gather @!p1 [hbm4b:s14+s16], $0x2000, s17, s16, $0x38;
	[tilespmem:$0x8080] =	vst v63  }
0x27: {  	p1 =	sge.u32 s31, s5  }
.Ltmp2:
0x28: {  	_ = 	snop;
	(pc) =	sbr.rel @p1 .LBB1_5-.Ltmp2, $1  }
0x29: {  	_ =	sdelay $0x3  }
0x2a: {  	s14 =	simm.s32 $0x1  }
0x2b: {  	_ =	swait.ge [sflag:s4], $0x2000;
	s14 =	simm.s32 @!p0 $0x0  }
0x2c: {  	[sflag:s4] =	ssyncset.done $0x0;
	s15 =	sshll.u32 s14, $0xD  }
0x2d: {  	[sflag:s4] =	ssyncadd.s32 $0xFFFFE000;
	s18 =	sor.u32 $0x20, s15  }
0x2e: {  	s14 =	smul.u32 $0x8100, s14;
	v3 =	vld [tilespmem:s18+$0x10]  }
0x2f: {  	s30 =	sand.u32 $0x1, s11;
	v2 =	vld [tilespmem:s18+$0xFFFFFFF0]  }
0x30: {  	s15 =	smul.u32 $0x8100, s30;
	s14 =	sshrl.u32 s14, $0x2;
	v0 =	vld [tilespmem:s18+$0x0]  }
0x31: {  	v1 =	vld [tilespmem:s18+$0xFFFFFFE0];
	s16 =	sor.u32 $0x4000, s14  }
0x32: {  	s31 =	sshrl.u32 s15, $0x2;
	s15 =	sadd.s32 $0x0, s16  }
0x33: {  	s17 =	simm.s32 $0x4;
	s18 =	sadd.s32 $0x40, s18;
	s14 =	sor.u32 $0x4000, s31;
	[tilespmem:s15+$0x1830 ss:$0x81] =	vst.msk $0xffff, v3  }
.LBB1_3:
0x34: {  	v3 =	vld [tilespmem:s18+$0x10];
	p1 =	sne.s32 s17, $0x1FC;
	[tilespmem:s15+$0x810 ss:$0x81] =	vst.msk $0xffff, v2;
	s19 =	smov.u32 s17;
	s17 =	sadd.s32 $0x4, s17  }
.Ltmp3:
0x35: {  	v2 =	vld [tilespmem:s18+$0xFFFFFFF0];
	[tilespmem:s15+$0x1020 ss:$0x81] =	vst.msk $0xffff, v0;
	(pc) =	sbr.rel @p1 .LBB1_3-.Ltmp3, $4  }
0x36: {  	v0 =	vld [tilespmem:s18+$0x0];
	[tilespmem:s15+$0x0 ss:$0x81] =	vst.msk $0xffff, v1  }
0x37: {  	s15 =	sshra.s32 s19, $0x2;
	v1 =	vld [tilespmem:s18+$0xFFFFFFE0]  }
0x38: {  	s15 =	sadd.s32 s15, s16  }
0x39: {  	s18 =	sadd.s32 $0x40, s18;
	[tilespmem:s15+$0x1830 ss:$0x81] =	vst.msk $0xffff, v3  }
.Ltmp4:
0x3a: {  	_ = 	snop;
	(pc) =	sbr.rel .LBB1_4-.Ltmp4, $1  }
0x3b: {  	_ =	sdelay $0x3  }
.LBB1_6:
0x3c: {  	_ =	sfence.sel $0x180000  }
0x3d: {  	s2 =	simm.s32 $0x1;
	[bflag:$0x0] =	sbarrier.arrive $0xFFFF  }
0x3e: {  	s31 =	simm.s32 $0x2;
	[sflag:s2] =	ssyncpa.u1 $0x1  }
0x3f: {  	[sflag:s31] =	ssyncpa.u1 $0x1  }
0x40: {  	p0 =	sne.s32 s0, $0x0;
	_ =	strace $0x9000004A  }
0x41: {  	s0 =	sadd.s32 @!p0 $0x100000, s1;
	[bflag:$0x2] =	sbarrier.arrive $0xFFFF  }
0x42: {  	[sflag:s0] =	ssyncadd.tile.s32 @!p0 $0x1;
	_ =	shalt  }
.Lfunc_end1:
_tile_overlayer_lowered:
.L_overlay_start_2:
0x43: {  	(tag) =	ssettag $0x2  }
0x44: {  	s0 =	rddreg [dreg:$0x0];
	s2 =	stileid.u32  }
0x45: {  	s1 =	rddreg [dreg:$0x1];
	p0 =	sne.s32 s2, $0x0  }
0x46: {  	s3 =	rddreg [dreg:$0x2];
	[bflag:$0x3] =	sbarrier.arrive $0xFFFF;
	s2 =	simm.s32 @!p0 $0x1C01  }
0x47: {  	[timem:s3], [sflag:s2] =	dma.local @!p0 [hbm:s0], s1  }
0x48: {  	s0 =	simm.s32 @!p0 $0x1  }
0x49: {  	_ =	swait.ge @!p0 [sflag:s0], s1  }
0x4a: {  	s1 =	ssub.s32 @!p0 $0x0, s1;
	[sflag:s0] =	ssyncset.done @!p0 $0x0  }
0x4b: {  	[sflag:s0] =	ssyncadd.s32 @!p0 s1  }
0x4c: {  	[bflag:$0x3] =	sbarrier.arrive $0xFFFF  }
0x4d: {  	_ =	shalt  }

</sc_bundles>
